<compile_context>
chip_gen: v7x
topology: tpu7x:2x2x1
jax: 0.10.2.dev20260603
libtpu: 0.0.44.dev20260713+nightly
codegen_flags: <defaults>
</compile_context>

<pallas_src>
import functools

import jax
import jax.numpy as jnp
from jax import lax
from jax.experimental import pallas as pl
from jax.experimental.pallas import tpu as pltpu
from jax.experimental.pallas import tpu_sc as plsc

_L = 16
_NC = 2
_NS = 16
_NW = _NC * _NS


def _make_sc_nn(n, k):
    qpw = n // _NW
    ng = qpw // _L
    mesh = plsc.VectorSubcoreMesh(core_axis_name="c", subcore_axis_name="s")

    @functools.partial(
        pl.kernel,
        out_type=[
            jax.ShapeDtypeStruct((n,), jnp.float32),
            jax.ShapeDtypeStruct((n,), jnp.float32),
        ],
        mesh=mesh,
        compiler_params=pltpu.CompilerParams(needs_layout_passes=False),
        scratch_types=[
            pltpu.VMEM((k,), jnp.float32),
            pltpu.VMEM((k,), jnp.float32),
            pltpu.VMEM((k,), jnp.float32),
            pltpu.VMEM((k,), jnp.float32),
            pltpu.VMEM((k,), jnp.float32),
            pltpu.VMEM((qpw,), jnp.float32),
            pltpu.VMEM((qpw,), jnp.float32),
            pltpu.VMEM((qpw,), jnp.float32),
            pltpu.VMEM((qpw,), jnp.float32),
            pltpu.VMEM((qpw,), jnp.float32),
            pltpu.VMEM((qpw,), jnp.float32),
            pltpu.SemaphoreType.DMA,
            pltpu.SemaphoreType.DMA,
            pltpu.SemaphoreType.DMA,
            pltpu.SemaphoreType.DMA,
            pltpu.SemaphoreType.DMA,
        ],
    )
    def sc_nn(ox_h, oy_h, nx_h, ny_h, rx_h, ry_h, px_h, py_h, bf_h,
              d2_h, mk_h,
              rx_v, ry_v, px_v, py_v, bf_v,
              qx_v, qy_v, nx_v, ny_v, od_v, om_v,
              sem_px, sem_py, sem_bf, sem_nx, sem_ny):
        wid = lax.axis_index("s") * _NC + lax.axis_index("c")
        base = wid * qpw
        h_px = pltpu.make_async_copy(px_h, px_v, sem_px)
        h_px.start()
        h_py = pltpu.make_async_copy(py_h, py_v, sem_py)
        h_py.start()
        h_bf = pltpu.make_async_copy(bf_h, bf_v, sem_bf)
        h_bf.start()
        h_nx = pltpu.make_async_copy(nx_h.at[pl.ds(base, qpw)], nx_v, sem_nx)
        h_nx.start()
        h_ny = pltpu.make_async_copy(ny_h.at[pl.ds(base, qpw)], ny_v, sem_ny)
        h_ny.start()
        pltpu.sync_copy(rx_h, rx_v)
        pltpu.sync_copy(ry_h, ry_v)
        pltpu.sync_copy(ox_h.at[pl.ds(base, qpw)], qx_v)
        pltpu.sync_copy(oy_h.at[pl.ds(base, qpw)], qy_v)

        qx = [qx_v[pl.ds(g * _L, _L)] for g in range(ng)]
        qy = [qy_v[pl.ds(g * _L, _L)] for g in range(ng)]
        inf = jnp.full((_L,), jnp.inf, jnp.float32)
        zero = jnp.zeros((_L,), jnp.int32)
        init = tuple([inf] * ng + [zero] * ng + [zero])

        def step(_, carry):
            st = list(carry)
            kv = st[2 * ng]
            rxb = plsc.load_gather(rx_v, [kv])
            ryb = plsc.load_gather(ry_v, [kv])
            for g in range(ng):
                dx = rxb - qx[g]
                dy = ryb - qy[g]
                d2 = dx * dx + dy * dy
                pred = d2 < st[g]
                st[g] = jnp.where(pred, d2, st[g])
                st[ng + g] = jnp.where(pred, kv, st[ng + g])
            st[2 * ng] = kv + 1
            return tuple(st)

        fin = lax.fori_loop(0, k, step, init, unroll=2)
        h_px.wait()
        h_py.wait()
        h_bf.wait()
        h_nx.wait()
        h_ny.wait()
        for g in range(ng):
            bid = fin[ng + g]
            pxg = plsc.load_gather(px_v, [bid])
            pyg = plsc.load_gather(py_v, [bid])
            bfg = plsc.load_gather(bf_v, [bid])
            ddx = nx_v[pl.ds(g * _L, _L)] - pxg
            ddy = ny_v[pl.ds(g * _L, _L)] - pyg
            od_v[pl.ds(g * _L, _L)] = ddx * ddx + ddy * ddy
            om_v[pl.ds(g * _L, _L)] = bfg
        pltpu.sync_copy(od_v, d2_h.at[pl.ds(base, qpw)])
        pltpu.sync_copy(om_v, mk_h.at[pl.ds(base, qpw)])

    return sc_nn


def _finish_body(d2_ref, mk_ref, out_ref):
    d = jnp.sqrt(d2_ref[...])
    m = mk_ref[...]
    out_ref[0, 0] = jnp.sum(d * m) / jnp.sum(m)


def _make_finish():
    return pl.pallas_call(
        _finish_body,
        out_shape=jax.ShapeDtypeStruct((1, 1), jnp.float32),
        out_specs=pl.BlockSpec(memory_space=pltpu.SMEM),
    )


def kernel(flat_origin_curves, flat_new_curves, dict_points, dict_ref, dict_bool):
    n = flat_origin_curves.shape[0]
    k = dict_ref.shape[0]
    ox = flat_origin_curves[:, 0]
    oy = flat_origin_curves[:, 1]
    nx = flat_new_curves[:, 0]
    ny = flat_new_curves[:, 1]
    rx = dict_ref[:, 0]
    ry = dict_ref[:, 1]
    px = dict_points[:, 0]
    py = dict_points[:, 1]
    bf = dict_bool.astype(jnp.float32)
    d2, mk = _make_sc_nn(n, k)(ox, oy, nx, ny, rx, ry, px, py, bf)
    loss = _make_finish()(d2.reshape(n // 128, 128), mk.reshape(n // 128, 128))
    return loss[0, 0]

# --- scband reference (transcript-rebuilt; emitter-appended) ---
"""Pipeline reference for scband-track-loss-40166534152765 (READ-ONLY COPY).

The authoritative reference and input builder live on the scoring server;
editing this copy changes nothing except your own understanding.
"""

import jax, jax.numpy as jnp
import numpy as np


def setup_inputs(seed: int = 0) -> dict:
    key = jax.random.key(seed)
    k1, k2, k3, k4, k5 = jax.random.split(key, 5)
    flat_origin_curves = jax.random.normal(k1, (4096, 2), dtype=jnp.float32)
    flat_new_curves = jax.random.normal(k2, (4096, 2), dtype=jnp.float32)
    dict_points = jax.random.normal(k3, (8192, 2), dtype=jnp.float32)
    dict_ref = jax.random.normal(k4, (8192, 2), dtype=jnp.float32)
    dict_bool = jax.random.randint(k5, (8192,), 0, 2) > 0
    return {
        "flat_origin_curves": flat_origin_curves,
        "flat_new_curves": flat_new_curves,
        "dict_points": dict_points,
        "dict_ref": dict_ref,
        "dict_bool": dict_bool,
    }


def reference(flat_origin_curves, flat_new_curves, dict_points, dict_ref, dict_bool):
    # distances: [N, K] pairwise L2 between origin curve points and dict_pred[2]
    diff = dict_ref[None, :, :] - flat_origin_curves[:, None, :]
    distances = jnp.linalg.norm(diff, axis=2)
    # 1-NN retrieval: argmin over dictionary axis
    closest_indices = jnp.argmin(distances, axis=1)
    # gather bool validity flags (dict_pred[1]) and matched points (dict_pred[0])
    closest_bool = jnp.take(dict_bool, closest_indices, axis=0)
    closest_points = jnp.take(dict_points, closest_indices, axis=0)
    # per-point L2 loss on new curve points vs matched dict points
    per_point = jnp.linalg.norm(flat_new_curves - closest_points, axis=1)
    # masked mean == mean over filtered (bool-indexed) subset in the torch code
    mask = closest_bool.astype(jnp.float32)
    track_loss = jnp.sum(per_point * mask) / jnp.sum(mask)
    return track_loss

if __name__ == "__main__":
    import jax
    _d = setup_inputs()
    print(jax.jit(kernel)(*tuple(_d.values())))

</pallas_src>

<mosaic_0001>
#map = affine_map<(d0, d1) -> (0)>
module attributes {stable_mosaic.version = 14 : i64} {
  func.func @sc_nn(%arg0: i32, %arg1: i32, %arg2: memref<4096xf32, #tpu.memory_space<hbm>>, %arg3: memref<4096xf32, #tpu.memory_space<hbm>>, %arg4: memref<4096xf32, #tpu.memory_space<hbm>>, %arg5: memref<4096xf32, #tpu.memory_space<hbm>>, %arg6: memref<8192xf32, #tpu.memory_space<hbm>>, %arg7: memref<8192xf32, #tpu.memory_space<hbm>>, %arg8: memref<8192xf32, #tpu.memory_space<hbm>>, %arg9: memref<8192xf32, #tpu.memory_space<hbm>>, %arg10: memref<8192xf32, #tpu.memory_space<hbm>>, %arg11: memref<4096xf32, #tpu.memory_space<hbm>>, %arg12: memref<4096xf32, #tpu.memory_space<hbm>>, %arg13: memref<8192xf32, #tpu.memory_space<vmem>>, %arg14: memref<8192xf32, #tpu.memory_space<vmem>>, %arg15: memref<8192xf32, #tpu.memory_space<vmem>>, %arg16: memref<8192xf32, #tpu.memory_space<vmem>>, %arg17: memref<8192xf32, #tpu.memory_space<vmem>>, %arg18: memref<128xf32, #tpu.memory_space<vmem>>, %arg19: memref<128xf32, #tpu.memory_space<vmem>>, %arg20: memref<128xf32, #tpu.memory_space<vmem>>, %arg21: memref<128xf32, #tpu.memory_space<vmem>>, %arg22: memref<128xf32, #tpu.memory_space<vmem>>, %arg23: memref<128xf32, #tpu.memory_space<vmem>>, %arg24: memref<!tpu.dma_semaphore, #tpu.memory_space<semaphore_mem>>, %arg25: memref<!tpu.dma_semaphore, #tpu.memory_space<semaphore_mem>>, %arg26: memref<!tpu.dma_semaphore, #tpu.memory_space<semaphore_mem>>, %arg27: memref<!tpu.dma_semaphore, #tpu.memory_space<semaphore_mem>>, %arg28: memref<!tpu.dma_semaphore, #tpu.memory_space<semaphore_mem>>) attributes {dimension_semantics = [#tpu.dimension_semantics<core_parallel>, #tpu.dimension_semantics<subcore_parallel>], iteration_bounds = array<i64: 2, 16>, scalar_prefetch = 0 : i64, scratch_operands = 16 : i64, tpu.core_type = #tpu.core_type<sc_vector_subcore>, window_params = [{transform_indices = #map}, {transform_indices = #map}, {transform_indices = #map}, {transform_indices = #map}, {transform_indices = #map}, {transform_indices = #map}, {transform_indices = #map}, {transform_indices = #map}, {transform_indices = #map}, {transform_indices = #map}, {transform_indices = #map}]} {
    %mul3A = arith.constant 2 : i32
    %mul3A_0 = arith.muli %arg1, %mul3A : i32
    %add3A = arith.addi %mul3A_0, %arg0 : i32
    %mul3A_1 = arith.constant 128 : i32
    %mul3A_2 = arith.muli %add3A, %mul3A_1 : i32
    tpu.enqueue_dma source(%arg8 : memref<8192xf32, #tpu.memory_space<hbm>>) target(%arg15 : memref<8192xf32, #tpu.memory_space<vmem>>) target_semaphore(%arg24 : memref<!tpu.dma_semaphore, #tpu.memory_space<semaphore_mem>>)
    tpu.enqueue_dma source(%arg9 : memref<8192xf32, #tpu.memory_space<hbm>>) target(%arg16 : memref<8192xf32, #tpu.memory_space<vmem>>) target_semaphore(%arg25 : memref<!tpu.dma_semaphore, #tpu.memory_space<semaphore_mem>>)
    tpu.enqueue_dma source(%arg10 : memref<8192xf32, #tpu.memory_space<hbm>>) target(%arg17 : memref<8192xf32, #tpu.memory_space<vmem>>) target_semaphore(%arg26 : memref<!tpu.dma_semaphore, #tpu.memory_space<semaphore_mem>>)
    %dma_start3A = tpu.memref_slice %arg4[%mul3A_2] : memref<4096xf32, #tpu.memory_space<hbm>> -> memref<128xf32, #tpu.memory_space<hbm>>
    %dma_start3A_3 = tpu.memref_slice %arg4[%mul3A_2] : memref<4096xf32, #tpu.memory_space<hbm>> -> memref<128xf32, #tpu.memory_space<hbm>>
    tpu.enqueue_dma source(%dma_start3A_3 : memref<128xf32, #tpu.memory_space<hbm>>) target(%arg20 : memref<128xf32, #tpu.memory_space<vmem>>) target_semaphore(%arg27 : memref<!tpu.dma_semaphore, #tpu.memory_space<semaphore_mem>>)
    %dma_start3A_4 = tpu.memref_slice %arg5[%mul3A_2] : memref<4096xf32, #tpu.memory_space<hbm>> -> memref<128xf32, #tpu.memory_space<hbm>>
    %dma_start3A_5 = tpu.memref_slice %arg5[%mul3A_2] : memref<4096xf32, #tpu.memory_space<hbm>> -> memref<128xf32, #tpu.memory_space<hbm>>
    tpu.enqueue_dma source(%dma_start3A_5 : memref<128xf32, #tpu.memory_space<hbm>>) target(%arg21 : memref<128xf32, #tpu.memory_space<vmem>>) target_semaphore(%arg28 : memref<!tpu.dma_semaphore, #tpu.memory_space<semaphore_mem>>)
    "tpu.region"() ({
      %run_scoped3A = tpu.sem_alloc : memref<!tpu.dma_semaphore, #tpu.memory_space<semaphore_mem>>
      tpu.enqueue_dma source(%arg6 : memref<8192xf32, #tpu.memory_space<hbm>>) target(%arg13 : memref<8192xf32, #tpu.memory_space<vmem>>) target_semaphore(%run_scoped3A : memref<!tpu.dma_semaphore, #tpu.memory_space<semaphore_mem>>)
      tpu.wait_dma2 semaphore(%run_scoped3A : memref<!tpu.dma_semaphore, #tpu.memory_space<semaphore_mem>>) src(%arg6 : memref<8192xf32, #tpu.memory_space<hbm>>) dst(%arg13 : memref<8192xf32, #tpu.memory_space<vmem>>)
      tpu.yield
    }) : () -> ()
    "tpu.region"() ({
      %run_scoped3A = tpu.sem_alloc : memref<!tpu.dma_semaphore, #tpu.memory_space<semaphore_mem>>
      tpu.enqueue_dma source(%arg7 : memref<8192xf32, #tpu.memory_space<hbm>>) target(%arg14 : memref<8192xf32, #tpu.memory_space<vmem>>) target_semaphore(%run_scoped3A : memref<!tpu.dma_semaphore, #tpu.memory_space<semaphore_mem>>)
      tpu.wait_dma2 semaphore(%run_scoped3A : memref<!tpu.dma_semaphore, #tpu.memory_space<semaphore_mem>>) src(%arg7 : memref<8192xf32, #tpu.memory_space<hbm>>) dst(%arg14 : memref<8192xf32, #tpu.memory_space<vmem>>)
      tpu.yield
    }) : () -> ()
    "tpu.region"() ({
      %run_scoped3A = tpu.sem_alloc : memref<!tpu.dma_semaphore, #tpu.memory_space<semaphore_mem>>
      %dma_start3A_173 = tpu.memref_slice %arg2[%mul3A_2] : memref<4096xf32, #tpu.memory_space<hbm>> -> memref<128xf32, #tpu.memory_space<hbm>>
      %dma_start3A_174 = tpu.memref_slice %arg2[%mul3A_2] : memref<4096xf32, #tpu.memory_space<hbm>> -> memref<128xf32, #tpu.memory_space<hbm>>
      tpu.enqueue_dma source(%dma_start3A_174 : memref<128xf32, #tpu.memory_space<hbm>>) target(%arg18 : memref<128xf32, #tpu.memory_space<vmem>>) target_semaphore(%run_scoped3A : memref<!tpu.dma_semaphore, #tpu.memory_space<semaphore_mem>>)
      %dma_wait3A_175 = tpu.memref_slice %arg2[%mul3A_2] : memref<4096xf32, #tpu.memory_space<hbm>> -> memref<128xf32, #tpu.memory_space<hbm>>
      %dma_wait3A_176 = tpu.memref_slice %arg2[%mul3A_2] : memref<4096xf32, #tpu.memory_space<hbm>> -> memref<128xf32, #tpu.memory_space<hbm>>
      tpu.wait_dma2 semaphore(%run_scoped3A : memref<!tpu.dma_semaphore, #tpu.memory_space<semaphore_mem>>) src(%dma_wait3A_176 : memref<128xf32, #tpu.memory_space<hbm>>) dst(%arg18 : memref<128xf32, #tpu.memory_space<vmem>>)
      tpu.yield
    }) : () -> ()
    "tpu.region"() ({
      %run_scoped3A = tpu.sem_alloc : memref<!tpu.dma_semaphore, #tpu.memory_space<semaphore_mem>>
      %dma_start3A_173 = tpu.memref_slice %arg3[%mul3A_2] : memref<4096xf32, #tpu.memory_space<hbm>> -> memref<128xf32, #tpu.memory_space<hbm>>
      %dma_start3A_174 = tpu.memref_slice %arg3[%mul3A_2] : memref<4096xf32, #tpu.memory_space<hbm>> -> memref<128xf32, #tpu.memory_space<hbm>>
      tpu.enqueue_dma source(%dma_start3A_174 : memref<128xf32, #tpu.memory_space<hbm>>) target(%arg19 : memref<128xf32, #tpu.memory_space<vmem>>) target_semaphore(%run_scoped3A : memref<!tpu.dma_semaphore, #tpu.memory_space<semaphore_mem>>)
      %dma_wait3A_175 = tpu.memref_slice %arg3[%mul3A_2] : memref<4096xf32, #tpu.memory_space<hbm>> -> memref<128xf32, #tpu.memory_space<hbm>>
      %dma_wait3A_176 = tpu.memref_slice %arg3[%mul3A_2] : memref<4096xf32, #tpu.memory_space<hbm>> -> memref<128xf32, #tpu.memory_space<hbm>>
      tpu.wait_dma2 semaphore(%run_scoped3A : memref<!tpu.dma_semaphore, #tpu.memory_space<semaphore_mem>>) src(%dma_wait3A_176 : memref<128xf32, #tpu.memory_space<hbm>>) dst(%arg19 : memref<128xf32, #tpu.memory_space<vmem>>)
      tpu.yield
    }) : () -> ()
    %get3A = arith.constant 0 : index
    %get3A_6 = tpu.vector_load %arg18[%get3A] {strides = array<i32>} : memref<128xf32, #tpu.memory_space<vmem>>, vector<16xf32>,
    %get3A_7 = arith.constant 16 : index
    %get3A_8 = tpu.vector_load %arg18[%get3A_7] {strides = array<i32>} : memref<128xf32, #tpu.memory_space<vmem>>, vector<16xf32>,
    %get3A_9 = arith.constant 32 : index
    %get3A_10 = tpu.vector_load %arg18[%get3A_9] {strides = array<i32>} : memref<128xf32, #tpu.memory_space<vmem>>, vector<16xf32>,
    %get3A_11 = arith.constant 48 : index
    %get3A_12 = tpu.vector_load %arg18[%get3A_11] {strides = array<i32>} : memref<128xf32, #tpu.memory_space<vmem>>, vector<16xf32>,
    %get3A_13 = arith.constant 64 : index
    %get3A_14 = tpu.vector_load %arg18[%get3A_13] {strides = array<i32>} : memref<128xf32, #tpu.memory_space<vmem>>, vector<16xf32>,
    %get3A_15 = arith.constant 80 : index
    %get3A_16 = tpu.vector_load %arg18[%get3A_15] {strides = array<i32>} : memref<128xf32, #tpu.memory_space<vmem>>, vector<16xf32>,
    %get3A_17 = arith.constant 96 : index
    %get3A_18 = tpu.vector_load %arg18[%get3A_17] {strides = array<i32>} : memref<128xf32, #tpu.memory_space<vmem>>, vector<16xf32>,
    %get3A_19 = arith.constant 112 : index
    %get3A_20 = tpu.vector_load %arg18[%get3A_19] {strides = array<i32>} : memref<128xf32, #tpu.memory_space<vmem>>, vector<16xf32>,
    %get3A_21 = arith.constant 0 : index
    %get3A_22 = tpu.vector_load %arg19[%get3A_21] {strides = array<i32>} : memref<128xf32, #tpu.memory_space<vmem>>, vector<16xf32>,
    %get3A_23 = arith.constant 16 : index
    %get3A_24 = tpu.vector_load %arg19[%get3A_23] {strides = array<i32>} : memref<128xf32, #tpu.memory_space<vmem>>, vector<16xf32>,
    %get3A_25 = arith.constant 32 : index
    %get3A_26 = tpu.vector_load %arg19[%get3A_25] {strides = array<i32>} : memref<128xf32, #tpu.memory_space<vmem>>, vector<16xf32>,
    %get3A_27 = arith.constant 48 : index
    %get3A_28 = tpu.vector_load %arg19[%get3A_27] {strides = array<i32>} : memref<128xf32, #tpu.memory_space<vmem>>, vector<16xf32>,
    %get3A_29 = arith.constant 64 : index
    %get3A_30 = tpu.vector_load %arg19[%get3A_29] {strides = array<i32>} : memref<128xf32, #tpu.memory_space<vmem>>, vector<16xf32>,
    %get3A_31 = arith.constant 80 : index
    %get3A_32 = tpu.vector_load %arg19[%get3A_31] {strides = array<i32>} : memref<128xf32, #tpu.memory_space<vmem>>, vector<16xf32>,
    %get3A_33 = arith.constant 96 : index
    %get3A_34 = tpu.vector_load %arg19[%get3A_33] {strides = array<i32>} : memref<128xf32, #tpu.memory_space<vmem>>, vector<16xf32>,
    %get3A_35 = arith.constant 112 : index
    %get3A_36 = tpu.vector_load %arg19[%get3A_35] {strides = array<i32>} : memref<128xf32, #tpu.memory_space<vmem>>, vector<16xf32>,
    %broadcast_in_dim3A = arith.constant 0x7F800000 : f32
    %broadcast_in_dim3A_37 = vector.broadcast %broadcast_in_dim3A : f32 to vector<16xf32>
    %broadcast_in_dim3A_38 = arith.constant 0 : i32
    %broadcast_in_dim3A_39 = vector.broadcast %broadcast_in_dim3A_38 : i32 to vector<16xi32>
    %scan3A = arith.constant 0 : i32
    %scan3A_40 = arith.constant 8192 : i32
    %scan3A_41 = arith.addi %scan3A, %scan3A_40 : i32
    %scan3A_42 = arith.constant 2 : i32
    %scan3A_43:17 = scf.for %scan3A_173 = %scan3A to %scan3A_41 step %scan3A_42 iter_args(%scan3A_174 = %broadcast_in_dim3A_37, %scan3A_175 = %broadcast_in_dim3A_37, %scan3A_176 = %broadcast_in_dim3A_37, %scan3A_177 = %broadcast_in_dim3A_37, %scan3A_178 = %broadcast_in_dim3A_37, %scan3A_179 = %broadcast_in_dim3A_37, %scan3A_180 = %broadcast_in_dim3A_37, %scan3A_181 = %broadcast_in_dim3A_37, %scan3A_182 = %broadcast_in_dim3A_39, %scan3A_183 = %broadcast_in_dim3A_39, %scan3A_184 = %broadcast_in_dim3A_39, %scan3A_185 = %broadcast_in_dim3A_39, %scan3A_186 = %broadcast_in_dim3A_39, %scan3A_187 = %broadcast_in_dim3A_39, %scan3A_188 = %broadcast_in_dim3A_39, %scan3A_189 = %broadcast_in_dim3A_39, %scan3A_190 = %broadcast_in_dim3A_39) -> (vector<16xf32>, vector<16xf32>, vector<16xf32>, vector<16xf32>, vector<16xf32>, vector<16xf32>, vector<16xf32>, vector<16xf32>, vector<16xi32>, vector<16xi32>, vector<16xi32>, vector<16xi32>, vector<16xi32>, vector<16xi32>, vector<16xi32>, vector<16xi32>, vector<16xi32>)  : i32 {
      %gather3A_191 = tpu.vector_load_idx %arg13[%scan3A_190] : memref<8192xf32, #tpu.memory_space<vmem>>[vector<16xi32>], vector<16xf32>,
      %gather3A_192 = tpu.vector_load_idx %arg14[%scan3A_190] : memref<8192xf32, #tpu.memory_space<vmem>>[vector<16xi32>], vector<16xf32>,
      %sub3A_193 = arith.subf %gather3A_191, %get3A_6 : vector<16xf32>
      %sub3A_194 = arith.subf %gather3A_192, %get3A_22 : vector<16xf32>
      %mul3A_195 = arith.mulf %sub3A_193, %sub3A_193 : vector<16xf32>
      %mul3A_196 = arith.mulf %sub3A_194, %sub3A_194 : vector<16xf32>
      %add3A_197 = arith.addf %mul3A_195, %mul3A_196 : vector<16xf32>
      %lt3A = arith.cmpf olt, %add3A_197, %scan3A_174 : vector<16xf32>
      %select_n3A = arith.select %lt3A, %add3A_197, %scan3A_174 : vector<16xi1>, vector<16xf32>
      %select_n3A_198 = arith.select %lt3A, %scan3A_190, %scan3A_182 : vector<16xi1>, vector<16xi32>
      %sub3A_199 = arith.subf %gather3A_191, %get3A_8 : vector<16xf32>
      %sub3A_200 = arith.subf %gather3A_192, %get3A_24 : vector<16xf32>
      %mul3A_201 = arith.mulf %sub3A_199, %sub3A_199 : vector<16xf32>
      %mul3A_202 = arith.mulf %sub3A_200, %sub3A_200 : vector<16xf32>
      %add3A_203 = arith.addf %mul3A_201, %mul3A_202 : vector<16xf32>
      %lt3A_204 = arith.cmpf olt, %add3A_203, %scan3A_175 : vector<16xf32>
      %select_n3A_205 = arith.select %lt3A_204, %add3A_203, %scan3A_175 : vector<16xi1>, vector<16xf32>
      %select_n3A_206 = arith.select %lt3A_204, %scan3A_190, %scan3A_183 : vector<16xi1>, vector<16xi32>
      %sub3A_207 = arith.subf %gather3A_191, %get3A_10 : vector<16xf32>
      %sub3A_208 = arith.subf %gather3A_192, %get3A_26 : vector<16xf32>
      %mul3A_209 = arith.mulf %sub3A_207, %sub3A_207 : vector<16xf32>
      %mul3A_210 = arith.mulf %sub3A_208, %sub3A_208 : vector<16xf32>
      %add3A_211 = arith.addf %mul3A_209, %mul3A_210 : vector<16xf32>
      %lt3A_212 = arith.cmpf olt, %add3A_211, %scan3A_176 : vector<16xf32>
      %select_n3A_213 = arith.select %lt3A_212, %add3A_211, %scan3A_176 : vector<16xi1>, vector<16xf32>
      %select_n3A_214 = arith.select %lt3A_212, %scan3A_190, %scan3A_184 : vector<16xi1>, vector<16xi32>
      %sub3A_215 = arith.subf %gather3A_191, %get3A_12 : vector<16xf32>
      %sub3A_216 = arith.subf %gather3A_192, %get3A_28 : vector<16xf32>
      %mul3A_217 = arith.mulf %sub3A_215, %sub3A_215 : vector<16xf32>
      %mul3A_218 = arith.mulf %sub3A_216, %sub3A_216 : vector<16xf32>
      %add3A_219 = arith.addf %mul3A_217, %mul3A_218 : vector<16xf32>
      %lt3A_220 = arith.cmpf olt, %add3A_219, %scan3A_177 : vector<16xf32>
      %select_n3A_221 = arith.select %lt3A_220, %add3A_219, %scan3A_177 : vector<16xi1>, vector<16xf32>
      %select_n3A_222 = arith.select %lt3A_220, %scan3A_190, %scan3A_185 : vector<16xi1>, vector<16xi32>
      %sub3A_223 = arith.subf %gather3A_191, %get3A_14 : vector<16xf32>
      %sub3A_224 = arith.subf %gather3A_192, %get3A_30 : vector<16xf32>
      %mul3A_225 = arith.mulf %sub3A_223, %sub3A_223 : vector<16xf32>
      %mul3A_226 = arith.mulf %sub3A_224, %sub3A_224 : vector<16xf32>
      %add3A_227 = arith.addf %mul3A_225, %mul3A_226 : vector<16xf32>
      %lt3A_228 = arith.cmpf olt, %add3A_227, %scan3A_178 : vector<16xf32>
      %select_n3A_229 = arith.select %lt3A_228, %add3A_227, %scan3A_178 : vector<16xi1>, vector<16xf32>
      %select_n3A_230 = arith.select %lt3A_228, %scan3A_190, %scan3A_186 : vector<16xi1>, vector<16xi32>
      %sub3A_231 = arith.subf %gather3A_191, %get3A_16 : vector<16xf32>
      %sub3A_232 = arith.subf %gather3A_192, %get3A_32 : vector<16xf32>
      %mul3A_233 = arith.mulf %sub3A_231, %sub3A_231 : vector<16xf32>
      %mul3A_234 = arith.mulf %sub3A_232, %sub3A_232 : vector<16xf32>
      %add3A_235 = arith.addf %mul3A_233, %mul3A_234 : vector<16xf32>
      %lt3A_236 = arith.cmpf olt, %add3A_235, %scan3A_179 : vector<16xf32>
      %select_n3A_237 = arith.select %lt3A_236, %add3A_235, %scan3A_179 : vector<16xi1>, vector<16xf32>
      %select_n3A_238 = arith.select %lt3A_236, %scan3A_190, %scan3A_187 : vector<16xi1>, vector<16xi32>
      %sub3A_239 = arith.subf %gather3A_191, %get3A_18 : vector<16xf32>
      %sub3A_240 = arith.subf %gather3A_192, %get3A_34 : vector<16xf32>
      %mul3A_241 = arith.mulf %sub3A_239, %sub3A_239 : vector<16xf32>
      %mul3A_242 = arith.mulf %sub3A_240, %sub3A_240 : vector<16xf32>
      %add3A_243 = arith.addf %mul3A_241, %mul3A_242 : vector<16xf32>
      %lt3A_244 = arith.cmpf olt, %add3A_243, %scan3A_180 : vector<16xf32>
      %select_n3A_245 = arith.select %lt3A_244, %add3A_243, %scan3A_180 : vector<16xi1>, vector<16xf32>
      %select_n3A_246 = arith.select %lt3A_244, %scan3A_190, %scan3A_188 : vector<16xi1>, vector<16xi32>
      %sub3A_247 = arith.subf %gather3A_191, %get3A_20 : vector<16xf32>
      %sub3A_248 = arith.subf %gather3A_192, %get3A_36 : vector<16xf32>
      %mul3A_249 = arith.mulf %sub3A_247, %sub3A_247 : vector<16xf32>
      %mul3A_250 = arith.mulf %sub3A_248, %sub3A_248 : vector<16xf32>
      %add3A_251 = arith.addf %mul3A_249, %mul3A_250 : vector<16xf32>
      %lt3A_252 = arith.cmpf olt, %add3A_251, %scan3A_181 : vector<16xf32>
      %select_n3A_253 = arith.select %lt3A_252, %add3A_251, %scan3A_181 : vector<16xi1>, vector<16xf32>
      %select_n3A_254 = arith.select %lt3A_252, %scan3A_190, %scan3A_189 : vector<16xi1>, vector<16xi32>
      %add3A_255 = arith.constant 1 : i32
      %add3A_256 = vector.broadcast %add3A_255 : i32 to vector<16xi32>
      %add3A_257 = arith.addi %scan3A_190, %add3A_256 : vector<16xi32>
      %scan3A_258 = arith.constant 1 : i32
      %scan3A_259 = arith.addi %scan3A_173, %scan3A_258 : i32
      %gather3A_260 = tpu.vector_load_idx %arg13[%add3A_257] : memref<8192xf32, #tpu.memory_space<vmem>>[vector<16xi32>], vector<16xf32>,
      %gather3A_261 = tpu.vector_load_idx %arg14[%add3A_257] : memref<8192xf32, #tpu.memory_space<vmem>>[vector<16xi32>], vector<16xf32>,
      %sub3A_262 = arith.subf %gather3A_260, %get3A_6 : vector<16xf32>
      %sub3A_263 = arith.subf %gather3A_261, %get3A_22 : vector<16xf32>
      %mul3A_264 = arith.mulf %sub3A_262, %sub3A_262 : vector<16xf32>
      %mul3A_265 = arith.mulf %sub3A_263, %sub3A_263 : vector<16xf32>
      %add3A_266 = arith.addf %mul3A_264, %mul3A_265 : vector<16xf32>
      %lt3A_267 = arith.cmpf olt, %add3A_266, %select_n3A : vector<16xf32>
      %select_n3A_268 = arith.select %lt3A_267, %add3A_266, %select_n3A : vector<16xi1>, vector<16xf32>
      %select_n3A_269 = arith.select %lt3A_267, %add3A_257, %select_n3A_198 : vector<16xi1>, vector<16xi32>
      %sub3A_270 = arith.subf %gather3A_260, %get3A_8 : vector<16xf32>
      %sub3A_271 = arith.subf %gather3A_261, %get3A_24 : vector<16xf32>
      %mul3A_272 = arith.mulf %sub3A_270, %sub3A_270 : vector<16xf32>
      %mul3A_273 = arith.mulf %sub3A_271, %sub3A_271 : vector<16xf32>
      %add3A_274 = arith.addf %mul3A_272, %mul3A_273 : vector<16xf32>
      %lt3A_275 = arith.cmpf olt, %add3A_274, %select_n3A_205 : vector<16xf32>
      %select_n3A_276 = arith.select %lt3A_275, %add3A_274, %select_n3A_205 : vector<16xi1>, vector<16xf32>
      %select_n3A_277 = arith.select %lt3A_275, %add3A_257, %select_n3A_206 : vector<16xi1>, vector<16xi32>
      %sub3A_278 = arith.subf %gather3A_260, %get3A_10 : vector<16xf32>
      %sub3A_279 = arith.subf %gather3A_261, %get3A_26 : vector<16xf32>
      %mul3A_280 = arith.mulf %sub3A_278, %sub3A_278 : vector<16xf32>
      %mul3A_281 = arith.mulf %sub3A_279, %sub3A_279 : vector<16xf32>
      %add3A_282 = arith.addf %mul3A_280, %mul3A_281 : vector<16xf32>
      %lt3A_283 = arith.cmpf olt, %add3A_282, %select_n3A_213 : vector<16xf32>
      %select_n3A_284 = arith.select %lt3A_283, %add3A_282, %select_n3A_213 : vector<16xi1>, vector<16xf32>
      %select_n3A_285 = arith.select %lt3A_283, %add3A_257, %select_n3A_214 : vector<16xi1>, vector<16xi32>
      %sub3A_286 = arith.subf %gather3A_260, %get3A_12 : vector<16xf32>
      %sub3A_287 = arith.subf %gather3A_261, %get3A_28 : vector<16xf32>
      %mul3A_288 = arith.mulf %sub3A_286, %sub3A_286 : vector<16xf32>
      %mul3A_289 = arith.mulf %sub3A_287, %sub3A_287 : vector<16xf32>
      %add3A_290 = arith.addf %mul3A_288, %mul3A_289 : vector<16xf32>
      %lt3A_291 = arith.cmpf olt, %add3A_290, %select_n3A_221 : vector<16xf32>
      %select_n3A_292 = arith.select %lt3A_291, %add3A_290, %select_n3A_221 : vector<16xi1>, vector<16xf32>
      %select_n3A_293 = arith.select %lt3A_291, %add3A_257, %select_n3A_222 : vector<16xi1>, vector<16xi32>
      %sub3A_294 = arith.subf %gather3A_260, %get3A_14 : vector<16xf32>
      %sub3A_295 = arith.subf %gather3A_261, %get3A_30 : vector<16xf32>
      %mul3A_296 = arith.mulf %sub3A_294, %sub3A_294 : vector<16xf32>
      %mul3A_297 = arith.mulf %sub3A_295, %sub3A_295 : vector<16xf32>
      %add3A_298 = arith.addf %mul3A_296, %mul3A_297 : vector<16xf32>
      %lt3A_299 = arith.cmpf olt, %add3A_298, %select_n3A_229 : vector<16xf32>
      %select_n3A_300 = arith.select %lt3A_299, %add3A_298, %select_n3A_229 : vector<16xi1>, vector<16xf32>
      %select_n3A_301 = arith.select %lt3A_299, %add3A_257, %select_n3A_230 : vector<16xi1>, vector<16xi32>
      %sub3A_302 = arith.subf %gather3A_260, %get3A_16 : vector<16xf32>
      %sub3A_303 = arith.subf %gather3A_261, %get3A_32 : vector<16xf32>
      %mul3A_304 = arith.mulf %sub3A_302, %sub3A_302 : vector<16xf32>
      %mul3A_305 = arith.mulf %sub3A_303, %sub3A_303 : vector<16xf32>
      %add3A_306 = arith.addf %mul3A_304, %mul3A_305 : vector<16xf32>
      %lt3A_307 = arith.cmpf olt, %add3A_306, %select_n3A_237 : vector<16xf32>
      %select_n3A_308 = arith.select %lt3A_307, %add3A_306, %select_n3A_237 : vector<16xi1>, vector<16xf32>
      %select_n3A_309 = arith.select %lt3A_307, %add3A_257, %select_n3A_238 : vector<16xi1>, vector<16xi32>
      %sub3A_310 = arith.subf %gather3A_260, %get3A_18 : vector<16xf32>
      %sub3A_311 = arith.subf %gather3A_261, %get3A_34 : vector<16xf32>
      %mul3A_312 = arith.mulf %sub3A_310, %sub3A_310 : vector<16xf32>
      %mul3A_313 = arith.mulf %sub3A_311, %sub3A_311 : vector<16xf32>
      %add3A_314 = arith.addf %mul3A_312, %mul3A_313 : vector<16xf32>
      %lt3A_315 = arith.cmpf olt, %add3A_314, %select_n3A_245 : vector<16xf32>
      %select_n3A_316 = arith.select %lt3A_315, %add3A_314, %select_n3A_245 : vector<16xi1>, vector<16xf32>
      %select_n3A_317 = arith.select %lt3A_315, %add3A_257, %select_n3A_246 : vector<16xi1>, vector<16xi32>
      %sub3A_318 = arith.subf %gather3A_260, %get3A_20 : vector<16xf32>
      %sub3A_319 = arith.subf %gather3A_261, %get3A_36 : vector<16xf32>
      %mul3A_320 = arith.mulf %sub3A_318, %sub3A_318 : vector<16xf32>
      %mul3A_321 = arith.mulf %sub3A_319, %sub3A_319 : vector<16xf32>
      %add3A_322 = arith.addf %mul3A_320, %mul3A_321 : vector<16xf32>
      %lt3A_323 = arith.cmpf olt, %add3A_322, %select_n3A_253 : vector<16xf32>
      %select_n3A_324 = arith.select %lt3A_323, %add3A_322, %select_n3A_253 : vector<16xi1>, vector<16xf32>
      %select_n3A_325 = arith.select %lt3A_323, %add3A_257, %select_n3A_254 : vector<16xi1>, vector<16xi32>
      %add3A_326 = arith.constant 1 : i32
      %add3A_327 = vector.broadcast %add3A_326 : i32 to vector<16xi32>
      %add3A_328 = arith.addi %add3A_257, %add3A_327 : vector<16xi32>
      scf.yield %select_n3A_268, %select_n3A_276, %select_n3A_284, %select_n3A_292, %select_n3A_300, %select_n3A_308, %select_n3A_316, %select_n3A_324, %select_n3A_269, %select_n3A_277, %select_n3A_285, %select_n3A_293, %select_n3A_301, %select_n3A_309, %select_n3A_317, %select_n3A_325, %add3A_328 : vector<16xf32>, vector<16xf32>, vector<16xf32>, vector<16xf32>, vector<16xf32>, vector<16xf32>, vector<16xf32>, vector<16xf32>, vector<16xi32>, vector<16xi32>, vector<16xi32>, vector<16xi32>, vector<16xi32>, vector<16xi32>, vector<16xi32>, vector<16xi32>, vector<16xi32>
    }
    %scan3A_44 = arith.constant 8192 : i32
    tpu.wait_dma2 semaphore(%arg24 : memref<!tpu.dma_semaphore, #tpu.memory_space<semaphore_mem>>) src(%arg8 : memref<8192xf32, #tpu.memory_space<hbm>>) dst(%arg15 : memref<8192xf32, #tpu.memory_space<vmem>>)
    tpu.wait_dma2 semaphore(%arg25 : memref<!tpu.dma_semaphore, #tpu.memory_space<semaphore_mem>>) src(%arg9 : memref<8192xf32, #tpu.memory_space<hbm>>) dst(%arg16 : memref<8192xf32, #tpu.memory_space<vmem>>)
    tpu.wait_dma2 semaphore(%arg26 : memref<!tpu.dma_semaphore, #tpu.memory_space<semaphore_mem>>) src(%arg10 : memref<8192xf32, #tpu.memory_space<hbm>>) dst(%arg17 : memref<8192xf32, #tpu.memory_space<vmem>>)
    %dma_wait3A = tpu.memref_slice %arg4[%mul3A_2] : memref<4096xf32, #tpu.memory_space<hbm>> -> memref<128xf32, #tpu.memory_space<hbm>>
    %dma_wait3A_45 = tpu.memref_slice %arg4[%mul3A_2] : memref<4096xf32, #tpu.memory_space<hbm>> -> memref<128xf32, #tpu.memory_space<hbm>>
    tpu.wait_dma2 semaphore(%arg27 : memref<!tpu.dma_semaphore, #tpu.memory_space<semaphore_mem>>) src(%dma_wait3A_45 : memref<128xf32, #tpu.memory_space<hbm>>) dst(%arg20 : memref<128xf32, #tpu.memory_space<vmem>>)
    %dma_wait3A_46 = tpu.memref_slice %arg5[%mul3A_2] : memref<4096xf32, #tpu.memory_space<hbm>> -> memref<128xf32, #tpu.memory_space<hbm>>
    %dma_wait3A_47 = tpu.memref_slice %arg5[%mul3A_2] : memref<4096xf32, #tpu.memory_space<hbm>> -> memref<128xf32, #tpu.memory_space<hbm>>
    tpu.wait_dma2 semaphore(%arg28 : memref<!tpu.dma_semaphore, #tpu.memory_space<semaphore_mem>>) src(%dma_wait3A_47 : memref<128xf32, #tpu.memory_space<hbm>>) dst(%arg21 : memref<128xf32, #tpu.memory_space<vmem>>)
    %gather3A = tpu.vector_load_idx %arg15[%scan3A_43#8] : memref<8192xf32, #tpu.memory_space<vmem>>[vector<16xi32>], vector<16xf32>,
    %gather3A_48 = tpu.vector_load_idx %arg16[%scan3A_43#8] : memref<8192xf32, #tpu.memory_space<vmem>>[vector<16xi32>], vector<16xf32>,
    %gather3A_49 = tpu.vector_load_idx %arg17[%scan3A_43#8] : memref<8192xf32, #tpu.memory_space<vmem>>[vector<16xi32>], vector<16xf32>,
    %get3A_50 = arith.constant 0 : index
    %get3A_51 = tpu.vector_load %arg20[%get3A_50] {strides = array<i32>} : memref<128xf32, #tpu.memory_space<vmem>>, vector<16xf32>,
    %sub3A = arith.subf %get3A_51, %gather3A : vector<16xf32>
    %get3A_52 = arith.constant 0 : index
    %get3A_53 = tpu.vector_load %arg21[%get3A_52] {strides = array<i32>} : memref<128xf32, #tpu.memory_space<vmem>>, vector<16xf32>,
    %sub3A_54 = arith.subf %get3A_53, %gather3A_48 : vector<16xf32>
    %mul3A_55 = arith.mulf %sub3A, %sub3A : vector<16xf32>
    %mul3A_56 = arith.mulf %sub3A_54, %sub3A_54 : vector<16xf32>
    %add3A_57 = arith.addf %mul3A_55, %mul3A_56 : vector<16xf32>
    %swap3A = arith.constant 0 : index
    %swap3A_58 = tpu.vector_load %arg22[%swap3A] {strides = array<i32>} : memref<128xf32, #tpu.memory_space<vmem>>, vector<16xf32>,
    tpu.vector_store %arg22[%swap3A], %add3A_57 {strides = array<i32>} : memref<128xf32, #tpu.memory_space<vmem>>, vector<16xf32>,
    %swap3A_59 = arith.constant 0 : index
    %swap3A_60 = tpu.vector_load %arg23[%swap3A_59] {strides = array<i32>} : memref<128xf32, #tpu.memory_space<vmem>>, vector<16xf32>,
    tpu.vector_store %arg23[%swap3A_59], %gather3A_49 {strides = array<i32>} : memref<128xf32, #tpu.memory_space<vmem>>, vector<16xf32>,
    %gather3A_61 = tpu.vector_load_idx %arg15[%scan3A_43#9] : memref<8192xf32, #tpu.memory_space<vmem>>[vector<16xi32>], vector<16xf32>,
    %gather3A_62 = tpu.vector_load_idx %arg16[%scan3A_43#9] : memref<8192xf32, #tpu.memory_space<vmem>>[vector<16xi32>], vector<16xf32>,
    %gather3A_63 = tpu.vector_load_idx %arg17[%scan3A_43#9] : memref<8192xf32, #tpu.memory_space<vmem>>[vector<16xi32>], vector<16xf32>,
    %get3A_64 = arith.constant 16 : index
    %get3A_65 = tpu.vector_load %arg20[%get3A_64] {strides = array<i32>} : memref<128xf32, #tpu.memory_space<vmem>>, vector<16xf32>,
    %sub3A_66 = arith.subf %get3A_65, %gather3A_61 : vector<16xf32>
    %get3A_67 = arith.constant 16 : index
    %get3A_68 = tpu.vector_load %arg21[%get3A_67] {strides = array<i32>} : memref<128xf32, #tpu.memory_space<vmem>>, vector<16xf32>,
    %sub3A_69 = arith.subf %get3A_68, %gather3A_62 : vector<16xf32>
    %mul3A_70 = arith.mulf %sub3A_66, %sub3A_66 : vector<16xf32>
    %mul3A_71 = arith.mulf %sub3A_69, %sub3A_69 : vector<16xf32>
    %add3A_72 = arith.addf %mul3A_70, %mul3A_71 : vector<16xf32>
    %swap3A_73 = arith.constant 16 : index
    %swap3A_74 = tpu.vector_load %arg22[%swap3A_73] {strides = array<i32>} : memref<128xf32, #tpu.memory_space<vmem>>, vector<16xf32>,
    tpu.vector_store %arg22[%swap3A_73], %add3A_72 {strides = array<i32>} : memref<128xf32, #tpu.memory_space<vmem>>, vector<16xf32>,
    %swap3A_75 = arith.constant 16 : index
    %swap3A_76 = tpu.vector_load %arg23[%swap3A_75] {strides = array<i32>} : memref<128xf32, #tpu.memory_space<vmem>>, vector<16xf32>,
    tpu.vector_store %arg23[%swap3A_75], %gather3A_63 {strides = array<i32>} : memref<128xf32, #tpu.memory_space<vmem>>, vector<16xf32>,
    %gather3A_77 = tpu.vector_load_idx %arg15[%scan3A_43#10] : memref<8192xf32, #tpu.memory_space<vmem>>[vector<16xi32>], vector<16xf32>,
    %gather3A_78 = tpu.vector_load_idx %arg16[%scan3A_43#10] : memref<8192xf32, #tpu.memory_space<vmem>>[vector<16xi32>], vector<16xf32>,
    %gather3A_79 = tpu.vector_load_idx %arg17[%scan3A_43#10] : memref<8192xf32, #tpu.memory_space<vmem>>[vector<16xi32>], vector<16xf32>,
    %get3A_80 = arith.constant 32 : index
    %get3A_81 = tpu.vector_load %arg20[%get3A_80] {strides = array<i32>} : memref<128xf32, #tpu.memory_space<vmem>>, vector<16xf32>,
    %sub3A_82 = arith.subf %get3A_81, %gather3A_77 : vector<16xf32>
    %get3A_83 = arith.constant 32 : index
    %get3A_84 = tpu.vector_load %arg21[%get3A_83] {strides = array<i32>} : memref<128xf32, #tpu.memory_space<vmem>>, vector<16xf32>,
    %sub3A_85 = arith.subf %get3A_84, %gather3A_78 : vector<16xf32>
    %mul3A_86 = arith.mulf %sub3A_82, %sub3A_82 : vector<16xf32>
    %mul3A_87 = arith.mulf %sub3A_85, %sub3A_85 : vector<16xf32>
    %add3A_88 = arith.addf %mul3A_86, %mul3A_87 : vector<16xf32>
    %swap3A_89 = arith.constant 32 : index
    %swap3A_90 = tpu.vector_load %arg22[%swap3A_89] {strides = array<i32>} : memref<128xf32, #tpu.memory_space<vmem>>, vector<16xf32>,
    tpu.vector_store %arg22[%swap3A_89], %add3A_88 {strides = array<i32>} : memref<128xf32, #tpu.memory_space<vmem>>, vector<16xf32>,
    %swap3A_91 = arith.constant 32 : index
    %swap3A_92 = tpu.vector_load %arg23[%swap3A_91] {strides = array<i32>} : memref<128xf32, #tpu.memory_space<vmem>>, vector<16xf32>,
    tpu.vector_store %arg23[%swap3A_91], %gather3A_79 {strides = array<i32>} : memref<128xf32, #tpu.memory_space<vmem>>, vector<16xf32>,
    %gather3A_93 = tpu.vector_load_idx %arg15[%scan3A_43#11] : memref<8192xf32, #tpu.memory_space<vmem>>[vector<16xi32>], vector<16xf32>,
    %gather3A_94 = tpu.vector_load_idx %arg16[%scan3A_43#11] : memref<8192xf32, #tpu.memory_space<vmem>>[vector<16xi32>], vector<16xf32>,
    %gather3A_95 = tpu.vector_load_idx %arg17[%scan3A_43#11] : memref<8192xf32, #tpu.memory_space<vmem>>[vector<16xi32>], vector<16xf32>,
    %get3A_96 = arith.constant 48 : index
    %get3A_97 = tpu.vector_load %arg20[%get3A_96] {strides = array<i32>} : memref<128xf32, #tpu.memory_space<vmem>>, vector<16xf32>,
    %sub3A_98 = arith.subf %get3A_97, %gather3A_93 : vector<16xf32>
    %get3A_99 = arith.constant 48 : index
    %get3A_100 = tpu.vector_load %arg21[%get3A_99] {strides = array<i32>} : memref<128xf32, #tpu.memory_space<vmem>>, vector<16xf32>,
    %sub3A_101 = arith.subf %get3A_100, %gather3A_94 : vector<16xf32>
    %mul3A_102 = arith.mulf %sub3A_98, %sub3A_98 : vector<16xf32>
    %mul3A_103 = arith.mulf %sub3A_101, %sub3A_101 : vector<16xf32>
    %add3A_104 = arith.addf %mul3A_102, %mul3A_103 : vector<16xf32>
    %swap3A_105 = arith.constant 48 : index
    %swap3A_106 = tpu.vector_load %arg22[%swap3A_105] {strides = array<i32>} : memref<128xf32, #tpu.memory_space<vmem>>, vector<16xf32>,
    tpu.vector_store %arg22[%swap3A_105], %add3A_104 {strides = array<i32>} : memref<128xf32, #tpu.memory_space<vmem>>, vector<16xf32>,
    %swap3A_107 = arith.constant 48 : index
    %swap3A_108 = tpu.vector_load %arg23[%swap3A_107] {strides = array<i32>} : memref<128xf32, #tpu.memory_space<vmem>>, vector<16xf32>,
    tpu.vector_store %arg23[%swap3A_107], %gather3A_95 {strides = array<i32>} : memref<128xf32, #tpu.memory_space<vmem>>, vector<16xf32>,
    %gather3A_109 = tpu.vector_load_idx %arg15[%scan3A_43#12] : memref<8192xf32, #tpu.memory_space<vmem>>[vector<16xi32>], vector<16xf32>,
    %gather3A_110 = tpu.vector_load_idx %arg16[%scan3A_43#12] : memref<8192xf32, #tpu.memory_space<vmem>>[vector<16xi32>], vector<16xf32>,
    %gather3A_111 = tpu.vector_load_idx %arg17[%scan3A_43#12] : memref<8192xf32, #tpu.memory_space<vmem>>[vector<16xi32>], vector<16xf32>,
    %get3A_112 = arith.constant 64 : index
    %get3A_113 = tpu.vector_load %arg20[%get3A_112] {strides = array<i32>} : memref<128xf32, #tpu.memory_space<vmem>>, vector<16xf32>,
    %sub3A_114 = arith.subf %get3A_113, %gather3A_109 : vector<16xf32>
    %get3A_115 = arith.constant 64 : index
    %get3A_116 = tpu.vector_load %arg21[%get3A_115] {strides = array<i32>} : memref<128xf32, #tpu.memory_space<vmem>>, vector<16xf32>,
    %sub3A_117 = arith.subf %get3A_116, %gather3A_110 : vector<16xf32>
    %mul3A_118 = arith.mulf %sub3A_114, %sub3A_114 : vector<16xf32>
    %mul3A_119 = arith.mulf %sub3A_117, %sub3A_117 : vector<16xf32>
    %add3A_120 = arith.addf %mul3A_118, %mul3A_119 : vector<16xf32>
    %swap3A_121 = arith.constant 64 : index
    %swap3A_122 = tpu.vector_load %arg22[%swap3A_121] {strides = array<i32>} : memref<128xf32, #tpu.memory_space<vmem>>, vector<16xf32>,
    tpu.vector_store %arg22[%swap3A_121], %add3A_120 {strides = array<i32>} : memref<128xf32, #tpu.memory_space<vmem>>, vector<16xf32>,
    %swap3A_123 = arith.constant 64 : index
    %swap3A_124 = tpu.vector_load %arg23[%swap3A_123] {strides = array<i32>} : memref<128xf32, #tpu.memory_space<vmem>>, vector<16xf32>,
    tpu.vector_store %arg23[%swap3A_123], %gather3A_111 {strides = array<i32>} : memref<128xf32, #tpu.memory_space<vmem>>, vector<16xf32>,
    %gather3A_125 = tpu.vector_load_idx %arg15[%scan3A_43#13] : memref<8192xf32, #tpu.memory_space<vmem>>[vector<16xi32>], vector<16xf32>,
    %gather3A_126 = tpu.vector_load_idx %arg16[%scan3A_43#13] : memref<8192xf32, #tpu.memory_space<vmem>>[vector<16xi32>], vector<16xf32>,
    %gather3A_127 = tpu.vector_load_idx %arg17[%scan3A_43#13] : memref<8192xf32, #tpu.memory_space<vmem>>[vector<16xi32>], vector<16xf32>,
    %get3A_128 = arith.constant 80 : index
    %get3A_129 = tpu.vector_load %arg20[%get3A_128] {strides = array<i32>} : memref<128xf32, #tpu.memory_space<vmem>>, vector<16xf32>,
    %sub3A_130 = arith.subf %get3A_129, %gather3A_125 : vector<16xf32>
    %get3A_131 = arith.constant 80 : index
    %get3A_132 = tpu.vector_load %arg21[%get3A_131] {strides = array<i32>} : memref<128xf32, #tpu.memory_space<vmem>>, vector<16xf32>,
    %sub3A_133 = arith.subf %get3A_132, %gather3A_126 : vector<16xf32>
    %mul3A_134 = arith.mulf %sub3A_130, %sub3A_130 : vector<16xf32>
    %mul3A_135 = arith.mulf %sub3A_133, %sub3A_133 : vector<16xf32>
    %add3A_136 = arith.addf %mul3A_134, %mul3A_135 : vector<16xf32>
    %swap3A_137 = arith.constant 80 : index
    %swap3A_138 = tpu.vector_load %arg22[%swap3A_137] {strides = array<i32>} : memref<128xf32, #tpu.memory_space<vmem>>, vector<16xf32>,
    tpu.vector_store %arg22[%swap3A_137], %add3A_136 {strides = array<i32>} : memref<128xf32, #tpu.memory_space<vmem>>, vector<16xf32>,
    %swap3A_139 = arith.constant 80 : index
    %swap3A_140 = tpu.vector_load %arg23[%swap3A_139] {strides = array<i32>} : memref<128xf32, #tpu.memory_space<vmem>>, vector<16xf32>,
    tpu.vector_store %arg23[%swap3A_139], %gather3A_127 {strides = array<i32>} : memref<128xf32, #tpu.memory_space<vmem>>, vector<16xf32>,
    %gather3A_141 = tpu.vector_load_idx %arg15[%scan3A_43#14] : memref<8192xf32, #tpu.memory_space<vmem>>[vector<16xi32>], vector<16xf32>,
    %gather3A_142 = tpu.vector_load_idx %arg16[%scan3A_43#14] : memref<8192xf32, #tpu.memory_space<vmem>>[vector<16xi32>], vector<16xf32>,
    %gather3A_143 = tpu.vector_load_idx %arg17[%scan3A_43#14] : memref<8192xf32, #tpu.memory_space<vmem>>[vector<16xi32>], vector<16xf32>,
    %get3A_144 = arith.constant 96 : index
    %get3A_145 = tpu.vector_load %arg20[%get3A_144] {strides = array<i32>} : memref<128xf32, #tpu.memory_space<vmem>>, vector<16xf32>,
    %sub3A_146 = arith.subf %get3A_145, %gather3A_141 : vector<16xf32>
    %get3A_147 = arith.constant 96 : index
    %get3A_148 = tpu.vector_load %arg21[%get3A_147] {strides = array<i32>} : memref<128xf32, #tpu.memory_space<vmem>>, vector<16xf32>,
    %sub3A_149 = arith.subf %get3A_148, %gather3A_142 : vector<16xf32>
    %mul3A_150 = arith.mulf %sub3A_146, %sub3A_146 : vector<16xf32>
    %mul3A_151 = arith.mulf %sub3A_149, %sub3A_149 : vector<16xf32>
    %add3A_152 = arith.addf %mul3A_150, %mul3A_151 : vector<16xf32>
    %swap3A_153 = arith.constant 96 : index
    %swap3A_154 = tpu.vector_load %arg22[%swap3A_153] {strides = array<i32>} : memref<128xf32, #tpu.memory_space<vmem>>, vector<16xf32>,
    tpu.vector_store %arg22[%swap3A_153], %add3A_152 {strides = array<i32>} : memref<128xf32, #tpu.memory_space<vmem>>, vector<16xf32>,
    %swap3A_155 = arith.constant 96 : index
    %swap3A_156 = tpu.vector_load %arg23[%swap3A_155] {strides = array<i32>} : memref<128xf32, #tpu.memory_space<vmem>>, vector<16xf32>,
    tpu.vector_store %arg23[%swap3A_155], %gather3A_143 {strides = array<i32>} : memref<128xf32, #tpu.memory_space<vmem>>, vector<16xf32>,
    %gather3A_157 = tpu.vector_load_idx %arg15[%scan3A_43#15] : memref<8192xf32, #tpu.memory_space<vmem>>[vector<16xi32>], vector<16xf32>,
    %gather3A_158 = tpu.vector_load_idx %arg16[%scan3A_43#15] : memref<8192xf32, #tpu.memory_space<vmem>>[vector<16xi32>], vector<16xf32>,
    %gather3A_159 = tpu.vector_load_idx %arg17[%scan3A_43#15] : memref<8192xf32, #tpu.memory_space<vmem>>[vector<16xi32>], vector<16xf32>,
    %get3A_160 = arith.constant 112 : index
    %get3A_161 = tpu.vector_load %arg20[%get3A_160] {strides = array<i32>} : memref<128xf32, #tpu.memory_space<vmem>>, vector<16xf32>,
    %sub3A_162 = arith.subf %get3A_161, %gather3A_157 : vector<16xf32>
    %get3A_163 = arith.constant 112 : index
    %get3A_164 = tpu.vector_load %arg21[%get3A_163] {strides = array<i32>} : memref<128xf32, #tpu.memory_space<vmem>>, vector<16xf32>,
    %sub3A_165 = arith.subf %get3A_164, %gather3A_158 : vector<16xf32>
    %mul3A_166 = arith.mulf %sub3A_162, %sub3A_162 : vector<16xf32>
    %mul3A_167 = arith.mulf %sub3A_165, %sub3A_165 : vector<16xf32>
    %add3A_168 = arith.addf %mul3A_166, %mul3A_167 : vector<16xf32>
    %swap3A_169 = arith.constant 112 : index
    %swap3A_170 = tpu.vector_load %arg22[%swap3A_169] {strides = array<i32>} : memref<128xf32, #tpu.memory_space<vmem>>, vector<16xf32>,
    tpu.vector_store %arg22[%swap3A_169], %add3A_168 {strides = array<i32>} : memref<128xf32, #tpu.memory_space<vmem>>, vector<16xf32>,
    %swap3A_171 = arith.constant 112 : index
    %swap3A_172 = tpu.vector_load %arg23[%swap3A_171] {strides = array<i32>} : memref<128xf32, #tpu.memory_space<vmem>>, vector<16xf32>,
    tpu.vector_store %arg23[%swap3A_171], %gather3A_159 {strides = array<i32>} : memref<128xf32, #tpu.memory_space<vmem>>, vector<16xf32>,
    "tpu.region"() ({
      %run_scoped3A = tpu.sem_alloc : memref<!tpu.dma_semaphore, #tpu.memory_space<semaphore_mem>>
      %dma_start3A_173 = tpu.memref_slice %arg11[%mul3A_2] : memref<4096xf32, #tpu.memory_space<hbm>> -> memref<128xf32, #tpu.memory_space<hbm>>
      %dma_start3A_174 = tpu.memref_slice %arg11[%mul3A_2] : memref<4096xf32, #tpu.memory_space<hbm>> -> memref<128xf32, #tpu.memory_space<hbm>>
      tpu.enqueue_dma source(%arg22 : memref<128xf32, #tpu.memory_space<vmem>>) target(%dma_start3A_174 : memref<128xf32, #tpu.memory_space<hbm>>) target_semaphore(%run_scoped3A : memref<!tpu.dma_semaphore, #tpu.memory_space<semaphore_mem>>)
      %dma_wait3A_175 = tpu.memref_slice %arg11[%mul3A_2] : memref<4096xf32, #tpu.memory_space<hbm>> -> memref<128xf32, #tpu.memory_space<hbm>>
      %dma_wait3A_176 = tpu.memref_slice %arg11[%mul3A_2] : memref<4096xf32, #tpu.memory_space<hbm>> -> memref<128xf32, #tpu.memory_space<hbm>>
      tpu.wait_dma2 semaphore(%run_scoped3A : memref<!tpu.dma_semaphore, #tpu.memory_space<semaphore_mem>>) src(%arg22 : memref<128xf32, #tpu.memory_space<vmem>>) dst(%dma_wait3A_176 : memref<128xf32, #tpu.memory_space<hbm>>)
      tpu.yield
    }) : () -> ()
    "tpu.region"() ({
      %run_scoped3A = tpu.sem_alloc : memref<!tpu.dma_semaphore, #tpu.memory_space<semaphore_mem>>
      %dma_start3A_173 = tpu.memref_slice %arg12[%mul3A_2] : memref<4096xf32, #tpu.memory_space<hbm>> -> memref<128xf32, #tpu.memory_space<hbm>>
      %dma_start3A_174 = tpu.memref_slice %arg12[%mul3A_2] : memref<4096xf32, #tpu.memory_space<hbm>> -> memref<128xf32, #tpu.memory_space<hbm>>
      tpu.enqueue_dma source(%arg23 : memref<128xf32, #tpu.memory_space<vmem>>) target(%dma_start3A_174 : memref<128xf32, #tpu.memory_space<hbm>>) target_semaphore(%run_scoped3A : memref<!tpu.dma_semaphore, #tpu.memory_space<semaphore_mem>>)
      %dma_wait3A_175 = tpu.memref_slice %arg12[%mul3A_2] : memref<4096xf32, #tpu.memory_space<hbm>> -> memref<128xf32, #tpu.memory_space<hbm>>
      %dma_wait3A_176 = tpu.memref_slice %arg12[%mul3A_2] : memref<4096xf32, #tpu.memory_space<hbm>> -> memref<128xf32, #tpu.memory_space<hbm>>
      tpu.wait_dma2 semaphore(%run_scoped3A : memref<!tpu.dma_semaphore, #tpu.memory_space<semaphore_mem>>) src(%arg23 : memref<128xf32, #tpu.memory_space<vmem>>) dst(%dma_wait3A_176 : memref<128xf32, #tpu.memory_space<hbm>>)
      tpu.yield
    }) : () -> ()
    return
  }
}

module attributes {stable_mosaic.version = 14 : i64} {
  func.func @_finish_body(%arg0: memref<32x128xf32, #tpu.memory_space<vmem>>, %arg1: memref<32x128xf32, #tpu.memory_space<vmem>>, %arg2: memref<1x1xf32, #tpu.memory_space<smem>>) attributes {dimension_semantics = [], scalar_prefetch = 0 : i64, scratch_operands = 0 : i64, tpu.core_type = #tpu.core_type<tc>} {
    %get3A = arith.constant 0 : index
    %get3A_0 = arith.constant 0 : index
    %get3A_1 = vector.load %arg0[%get3A, %get3A_0] : memref<32x128xf32, #tpu.memory_space<vmem>>, vector<32x128xf32>
    %sqrt3A = math.sqrt %get3A_1 : vector<32x128xf32>
    %get3A_2 = arith.constant 0 : index
    %get3A_3 = arith.constant 0 : index
    %get3A_4 = vector.load %arg1[%get3A_2, %get3A_3] : memref<32x128xf32, #tpu.memory_space<vmem>>, vector<32x128xf32>
    %mul3A = arith.mulf %sqrt3A, %get3A_4 : vector<32x128xf32>
    %reduce_sum3A = vector.shape_cast %mul3A : vector<32x128xf32> to vector<1x32x128xf32>
    %reduce_sum3A_5 = arith.constant dense<0.000000e+00> : vector<1xf32>
    %reduce_sum3A_6 = vector.multi_reduction <add>, %reduce_sum3A, %reduce_sum3A_5 [1, 2] : vector<1x32x128xf32> to vector<1xf32>
    %reduce_sum3A_7 = vector.shape_cast %reduce_sum3A_6 : vector<1xf32> to vector<1x1x1xf32>
    %reduce_sum3A_8 = vector.extract %reduce_sum3A_7[0, 0, 0] : f32 from vector<1x1x1xf32>
    %reduce_sum3A_9 = vector.shape_cast %get3A_4 : vector<32x128xf32> to vector<1x32x128xf32>
    %reduce_sum3A_10 = arith.constant dense<0.000000e+00> : vector<1xf32>
    %reduce_sum3A_11 = vector.multi_reduction <add>, %reduce_sum3A_9, %reduce_sum3A_10 [1, 2] : vector<1x32x128xf32> to vector<1xf32>
    %reduce_sum3A_12 = vector.shape_cast %reduce_sum3A_11 : vector<1xf32> to vector<1x1x1xf32>
    %reduce_sum3A_13 = vector.extract %reduce_sum3A_12[0, 0, 0] : f32 from vector<1x1x1xf32>
    %div3A = arith.divf %reduce_sum3A_8, %reduce_sum3A_13 : f32
    %swap3A = arith.constant 0 : index
    %swap3A_14 = arith.constant 0 : index
    %swap3A_15 = memref.load %arg2[%swap3A, %swap3A_14] : memref<1x1xf32, #tpu.memory_space<smem>>
    memref.store %div3A, %arg2[%swap3A, %swap3A_14] : memref<1x1xf32, #tpu.memory_space<smem>>
    return
  }
}

</mosaic_0001>

<sc_bundles>
// kernel: kernel.4.cloned.1.call-start
scs
__scs_entry_jumppad:
0x0: {  	(pc) =	sbr.rel $0x88, $3  }
0x1: {  	(tag) =	ssettag $0x0;
	lr =	simm.s32 $0x1  }
0x2: {  	[smem:$0x3F9C] =	sst lr;
	_ =	strace $0xD0000000  }
0x3: {  	_ = 	snop  }
0x4: {  	_ = 	snop  }
0x5: {  	_ = 	snop  }
0x6: {  	_ = 	snop  }
0x7: {  	_ = 	snop  }
__scs_overlays_trampoline_lowered:
0x8: {  	[smem:$0x3FAB] =	sst s0  }
0x9: {  	[smem:$0x3FAC] =	sst s1  }
0xa: {  	[smem:$0x3FAD] =	sst s2  }
0xb: {  	[smem:$0x3FAE] =	sst s3  }
0xc: {  	[smem:$0x3FAF] =	sst s4  }
0xd: {  	[smem:$0x3FB0] =	sst s5  }
0xe: {  	[smem:$0x3FB1] =	sst s6  }
0xf: {  	[smem:$0x3FB2] =	sst s7  }
0x10: {  	[smem:$0x3FB3] =	sst s8  }
0x11: {  	[smem:$0x3FB4] =	sst s9;
	s0 =	simm.s32 @!p0 $0x0  }
0x12: {  	s1 =	sld [smem:$0x3F9A];
	s0 =	simm.s32 @p0 $0x1  }
0x13: {  	[smem:$0x3FB5] =	sst s0;
	s0 =	simm.s32 @!p1 $0x0  }
0x14: {  	s2 =	sld [smem:$0x3F99];
	s0 =	simm.s32 @p1 $0x1  }
0x15: {  	[smem:$0x3FB6] =	sst s0;
	s0 =	simm.s32 @!p2 $0x0  }
0x16: {  	s3 =	sld [smem:$0x3FDB];
	s0 =	simm.s32 @p2 $0x1  }
0x17: {  	s4 =	simm.s32 $0x1BF5;
	[smem:$0x3FB8] =	sst s0  }
0x18: {  	s0 =	sld [smem:$0x3F9B];
	_ =	swait.ge [sflag:s4], $0x0  }
0x19: {  	s7 =	sld [smem:$0x3F9C]  }
0x1a: {  	s8 =	sadd.s32 $0xFFFFE003, lr  }
0x1b: {  	s9 =	sadd.s32 $0xFFFFFEF7, lr;
	s5 =	simm.s32 $0xFFFFFFFF;
	p2 =	slt.u32 s8, $0xFFFFF086  }
0x1c: {  	p1 =	slt.u32 s9, $0xF7A;
	s5 =	simm.s32 @!p2 $0x0  }
0x1d: {  	s5 =	simm.s32 @p1 $0x1;
	p0 =	seq.s32 s7, s2  }
0x1e: {  	s7 =	smul.u32 @!p0 $0xF7A, s2;
	p2 =	seq.s32 @!p0 s5, $0x0  }
0x1f: {  	s9 =	smul.u32 $0xF7A, s1;
	s8 =	simm.s32 @!p0 $0x1BF5;
	p2 =	por !p2, p0  }
0x20: {  	[sflag:s8] =	ssyncset.s32 @!p0 $0xFFFFF086;
	s6 =	sadd.s32 @!p0 s3, s7;
	s7 =	simm.s32 @!p0 $0x108  }
0x21: {  	s3 =	sadd.s32 s3, s9;
	s6 =	sadd.s32 @!p0 $0x88, s6;
	s7 =	simm.s32 @p2 $0x1082  }
0x22: {  	[simem:s7], [sflag:s8] =	dma.local @!p0 [hbm:s6], $0xF7A  }
0x23: {  	s9 =	sor.u32 $0xD0000000, s2;
	s6 =	simm.s32 $0x108;
	_ =	swait.ge @!p0 [sflag:s8], $0x0  }
0x24: {  	s3 =	sadd.s32 $0x88, s3;
	s6 =	simm.s32 @!p1 $0x1082;
	[sflag:s4] =	ssyncset.s32 $0xFFFFF086  }
0x25: {  	[simem:s6], [sflag:s4] =	dma.local [hbm:s3], $0xF7A  }
0x26: {  	[smem:$0x3F9C] =	sst s1;
	(tag) =	ssettag s2;
	_ =	strace s9  }
0x27: {  	s1 =	sld [smem:$0x3FAC]  }
0x28: {  	s2 =	sld [smem:$0x3FAD]  }
0x29: {  	s4 =	sld [smem:$0x3FAF]  }
0x2a: {  	p0 =	seq.s32 s5, $0x0;
	s5 =	sld [smem:$0x3FB0]  }
0x2b: {  	s6 =	sld [smem:$0x3FB1]  }
0x2c: {  	s7 =	sld [smem:$0x3FB2]  }
0x2d: {  	s3 =	simm.s32 $0x108;
	s8 =	sld [smem:$0x3FB3]  }
0x2e: {  	s3 =	simm.s32 @!p0 $0x1082;
	s9 =	sld [smem:$0x3FB4]  }
0x2f: {  	lr =	sadd.s32 s0, s3;
	s0 =	sld [smem:$0x3FAB]  }
0x30: {  	s3 =	sld [smem:$0x3FAE]  }
0x31: {  	[smem:$0x3FB7] =	sst s10  }
0x32: {  	s10 =	sld [smem:$0x3FB5];
	_ =	sdelay $0x3  }
0x33: {  	p0 =	seq.s32 s10, $0x1;
	s10 =	sld [smem:$0x3FB7];
	_ =	sdelay $0x3  }
0x34: {  	[smem:$0x3FB7] =	sst s10  }
0x35: {  	s10 =	sld [smem:$0x3FB6];
	_ =	sdelay $0x3  }
0x36: {  	p1 =	seq.s32 s10, $0x1;
	s10 =	sld [smem:$0x3FB7];
	_ =	sdelay $0x3  }
0x37: {  	[smem:$0x3FB7] =	sst s10  }
0x38: {  	s10 =	sld [smem:$0x3FB8]  }
0x39: {  	_ = 	snop;
	(pc) =	sbr.ind lr, $3  }
0x3a: {  	_ = 	snop  }
0x3b: {  	_ = 	snop  }
0x3c: {  	p2 =	seq.s32 s10, $0x1;
	s10 =	sld [smem:$0x3FB7]  }
0x3d: {  	_ =	shalt  }
0x3e: {  	_ =	shalt  }
0x3f: {  	_ =	shalt  }
0x40: {  	_ =	shalt  }
0x41: {  	_ =	shalt  }
0x42: {  	_ =	shalt  }
0x43: {  	_ =	shalt  }
0x44: {  	_ =	shalt  }
0x45: {  	_ =	shalt  }
0x46: {  	_ =	shalt  }
0x47: {  	_ =	shalt  }
0x48: {  	_ =	shalt  }
0x49: {  	_ =	shalt  }
0x4a: {  	_ =	shalt  }
0x4b: {  	_ =	shalt  }
0x4c: {  	_ =	shalt  }
0x4d: {  	_ =	shalt  }
0x4e: {  	_ =	shalt  }
0x4f: {  	_ =	shalt  }
0x50: {  	_ =	shalt  }
0x51: {  	_ =	shalt  }
0x52: {  	_ =	shalt  }
0x53: {  	_ =	shalt  }
0x54: {  	_ =	shalt  }
0x55: {  	_ =	shalt  }
0x56: {  	_ =	shalt  }
0x57: {  	_ =	shalt  }
0x58: {  	_ =	shalt  }
0x59: {  	_ =	shalt  }
0x5a: {  	_ =	shalt  }
0x5b: {  	_ =	shalt  }
0x5c: {  	_ =	shalt  }
0x5d: {  	_ =	shalt  }
0x5e: {  	_ =	shalt  }
0x5f: {  	_ =	shalt  }
0x60: {  	_ =	shalt  }
0x61: {  	_ =	shalt  }
0x62: {  	_ =	shalt  }
0x63: {  	_ =	shalt  }
0x64: {  	_ =	shalt  }
0x65: {  	_ =	shalt  }
0x66: {  	_ =	shalt  }
0x67: {  	_ =	shalt  }
0x68: {  	_ =	shalt  }
0x69: {  	_ =	shalt  }
0x6a: {  	_ =	shalt  }
0x6b: {  	_ =	shalt  }
0x6c: {  	_ =	shalt  }
0x6d: {  	_ =	shalt  }
0x6e: {  	_ =	shalt  }
0x6f: {  	_ =	shalt  }
0x70: {  	_ =	shalt  }
0x71: {  	_ =	shalt  }
0x72: {  	_ =	shalt  }
0x73: {  	_ =	shalt  }
0x74: {  	_ =	shalt  }
0x75: {  	_ =	shalt  }
0x76: {  	_ =	shalt  }
0x77: {  	_ =	shalt  }
0x78: {  	_ =	shalt  }
0x79: {  	_ =	shalt  }
0x7a: {  	_ =	shalt  }
0x7b: {  	_ =	shalt  }
0x7c: {  	_ =	shalt  }
0x7d: {  	_ =	shalt  }
0x7e: {  	_ =	shalt  }
0x7f: {  	_ =	shalt  }
0x80: {  	_ =	shalt  }
0x81: {  	_ =	shalt  }
0x82: {  	_ =	shalt  }
0x83: {  	_ =	shalt  }
0x84: {  	_ =	shalt  }
0x85: {  	_ =	shalt  }
0x86: {  	_ =	shalt  }
0x87: {  	_ =	shalt  }
.Lfunc_end0:
.L_simem_size_0:
called_computation_lowered:
.L_overlay_start_0:
0x88: {  	s2 =	sld [smem:$0x3FD9]  }
0x89: {  	s3 =	sld [smem:$0x3FFE];
	_ =	sdelay $0x1  }
0x8a: {  	s1 =	srdreg.scid  }
0x8b: {  	s0 =	sand.u32 $0x1, s1  }
0x8c: {  	s16 =	sshll.u32 s0, $0xA;
	s2 =	sadd.s32 s3, s2  }
0x8d: {  	s2 =	sadd.s32 s2, s16  }
0x8e: {  	[smem:$0x3FC3] =	sst s2  }
0x8f: {  	_ = 	snop  }
0x90: {  	(tm) =	ssettm $0x1  }
0x91: {  	s17 =	sld [smem:$0x3FFB];
	_ =	sdelay $0x3  }
0x92: {  	_ =	strace s17  }
0x93: {  	s2 =	sld [smem:$0x3FFC];
	_ =	sdelay $0x3  }
0x94: {  	_ =	strace s2  }
0x95: {  	s2 =	sld [smem:$0x3FFD];
	_ =	sdelay $0x3  }
0x96: {  	_ =	strace s2  }
0x97: {  	_ =	strace $0x8FFFFFFF  }
0x98: {  	s18 =	sld [smem:$0x3FDB];
	_ =	sdelay $0x1  }
0x99: {  	s19 =	simm.s32 $_scs_section_size  }
0x9a: {  	s4 =	simm.s32 $_size__tile_overlayer_lowered;
	s5 =	simm.s32 $_tile_overlayer_lowered  }
0x9b: {  	s22 =	simm.s32 $0x1BFF;
	s21 =	sshll.u32 s5, $0x1;
	s2 =	sadd.s32 s19, s18  }
0x9c: {  	s6 =	simm.s32 $0x0;
	s20 =	sshll.u32 s4, $0x1;
	s4 =	sadd.s32 s21, s2  }
0x9d: {  	[timem:s6], [sflag:s22] =	dma.local [hbm:s4], s20  }
0x9e: {  	_ =	swait.ge [sflag:s22], s20  }
0x9f: {  	s3 =	ssub.s32 $0x0, s20;
	[sflag:s22] =	ssyncset.done $0x0  }
0xa0: {  	[sflag:s22] =	ssyncadd.s32 s3;
	_ =	sdelay $0x1  }
0xa1: {  	s23 =	simm.s32 $0x1B8B  }
0xa2: {  	_ =	swait.ge [sflag:s23], $0x1  }
0xa3: {  	[sflag:s23] =	ssyncset.done $0x0  }
0xa4: {  	s25 =	simm.s32 $0x1B8E;
	s24 =	sld [smem:$0x3FFE];
	[sflag:s23] =	ssyncadd.s32 $0xFFFFFFFF  }
0xa5: {  	s26 =	simm.s32 $execute0_lowered;
	[smem:$0x3FD2] =	sst s25  }
0xa6: {  	s4 =	sshll.u32 s26, $0x1;
	_ =	strace $0x80000046;
	[dreg:$0x1] =	wrdreg $0xFFFFFFFF  }
0xa7: {  	s28 =	simm.s32 $_size_execute0_lowered;
	s2 =	sadd.s32 s2, s4;
	[dreg:$0x0] =	wrdreg $0x0  }
0xa8: {  	s4 =	sshll.u32 s28, $0x1;
	[dreg:$0x2] =	wrdreg s2  }
0xa9: {  	[dreg:$0x3] =	wrdreg s4  }
0xaa: {  	[dreg:$0x4] =	wrdreg $0xC0  }
0xab: {  	_ =	task [dreg:s6], $0x5FFFF  }
0xac: {  	[dreg:$0x1] =	wrdreg $0xFFFFFFFF  }
0xad: {  	[dreg:$0x0] =	wrdreg $0x60  }
0xae: {  	[dreg:$0x2] =	wrdreg s24  }
0xaf: {  	[dreg:$0x3] =	wrdreg $0x9  }
0xb0: {  	_ =	task.clear_ibuf [dreg:s6], $0x4FFFF;
	_ =	strace $0x90000046  }
0xb1: {  	s29 =	simm.s32 $0x9;
	_ =	strace $0x80000048  }
0xb2: {  	_ =	swait.ge [sflag:s29], $0x1  }
0xb3: {  	[sflag:s29] =	ssyncadd.s32 $0xFFFFFFFF  }
0xb4: {  	_ =	strace $0x90000048  }
0xb5: {  	_ =	sfence  }
0xb6: {  	s30 =	sld [smem:$0x0];
	_ =	sdelay $0x2  }
0xb7: {  	s31 =	sshll.u32 s1, $0xD;
	s1 =	sshrl.u32 s1, $0x2  }
0xb8: {  	s3 =	sand.u32 $0x4000, s31;
	s1 =	sadd.s32 s1, s30  }
0xb9: {  	s0 =	sor.u32 s3, s0;
	s1 =	sshll.u32 s1, $0x11  }
0xba: {  	s0 =	sor.u32 s1, s0  }
0xbb: {  	s0 =	sadd.s32 $0x8F2B, s0  }
0xbc: {  	[sflag:s0] =	ssyncadd.remote.s32 $0x1  }
0xbd: {  	_ =	sfence.sel $0xFFFF  }
0xbe: {  	[dreg:$0x0] =	wrdreg $0xFFFFFFFF;
	(pc) =	sbr.abs _section_cstart, $3  }
0xbf: {  	[dreg:$0x1] =	wrdreg $0xFFFFFFFF  }
0xc0: {  	_ =	task.clear_ibuf [dreg:s6], $0x2FFFF;
	_ =	strace $0x9FFFFFFF  }
0xc1: {  	(tm) =	ssettm $0x7FFFFFFF  }
tec
execute0_lowered:
.L_overlay_start_1:
0x0: {  	(tag) =	ssettag $0x1  }
0x1: {  	s0 =	rddreg [dreg:$0x0]  }
0x2: {  	s1 =	simm.s32 $0x0;
	s2 =	srdreg.scid;
	s6 =	stileid.u32  }
0x3: {  	s15 =	simm.s32 $0x4000;
	s16 =	simm.s32 $0x6000;
	s17 =	simm.s32 $0x8000  }
0x4: {  	s18 =	simm.s32 $0xA100;
	s19 =	simm.s32 $0xA180;
	s20 =	simm.s32 $0x6  }
0x5: {  	s21 =	simm.s32 $0x2000;
	s22 =	simm.s32 $0xA000;
	s23 =	simm.s32 $0xA080  }
0x6: {  	s24 =	simm.s32 $0x1;
	s25 =	simm.s32 $0x2;
	s26 =	simm.s32 $0x3  }
0x7: {  	s28 =	simm.s32 $0x4;
	s29 =	simm.s32 $0x5;
	s30 =	simm.s32 $0xA200  }
0x8: {  	s31 =	simm.s32 $0xA280;
	[smem:$0x7FF] =	sst s1;
	s3 =	sadd.s32 $0x3400, s0  }
0x9: {  	s4 =	sadd.s32 $0x3000, s0;
	s5 =	sadd.s32 $0x2C00, s0;
	s2 =	sand.u32 $0x1, s2  }
0xa: {  	s7 =	sshll.u32 s6, $0x5;
	s6 =	sadd.s32 $0x2800, s0;
	s8 =	sshll.u32 s2, $0x4  }
0xb: {  	_ =	strace $0x80000047;
	s2 =	ssub.s32 $0x2, s2;
	s8 =	sor.u32 s8, s7  }
0xc: {  	s9 =	sshrl.u32 s2, $0x1;
	s7 =	sadd.s32 $0x1C00, s0;
	s0 =	sadd.s32 s8, s0  }
0xd: {  	s2 =	ssub.s32 s2, s9;
	s8 =	sadd.s32 $0x2600, s0;
	s9 =	sadd.s32 $0x2400, s0  }
0xe: {  	s10 =	sadd.s32 $0x2200, s0;
	s11 =	sadd.s32 $0x2000, s0;
	s12 =	sadd.s32 $0x3800, s0  }
0xf: {  	s13 =	sadd.s32 $0x3A00, s0;
	s14 =	smax.u32 s2, $0x1;
	s0 =	simm.s32 $0x0  }
.LBB2_1:
0x10: {  	[tilespmem:s15], [sflag:$0x1] =	stream.linear.gather [hbm4b:s5+s1], $0x2000, $0x38;
	[tilespmem:$0xA300] =	vst v63  }
0x11: {  	_ = 	snop  }
0x12: {  	[tilespmem:s16], [sflag:$0x2] =	stream.linear.gather [hbm4b:s6+s1], $0x2000, $0x38;
	[tilespmem:$0xA300] =	vst v63  }
0x13: {  	_ = 	snop  }
0x14: {  	[tilespmem:s17], [sflag:$0x3] =	stream.linear.gather [hbm4b:s7+s1], $0x2000, $0x38;
	[tilespmem:$0xA300] =	vst v63  }
0x15: {  	_ = 	snop  }
0x16: {  	[tilespmem:s18], [sflag:$0x4] =	stream.linear.gather [hbm4b:s8+s1], $0x80, $0x38;
	[tilespmem:$0xA300] =	vst v63  }
0x17: {  	_ = 	snop  }
0x18: {  	[tilespmem:s19], [sflag:$0x5] =	stream.linear.gather [hbm4b:s9+s1], $0x80, $0x38;
	[tilespmem:$0xA300] =	vst v63  }
0x19: {  	_ = 	snop  }
0x1a: {  	[tilespmem:s1], [sflag:$0x6] =	stream.linear.gather [hbm4b:s3+s1], $0x2000, $0x38;
	[tilespmem:$0xA300] =	vst v63  }
0x1b: {  	_ =	swait.ge [sflag:s20], $0x2000  }
0x1c: {  	[sflag:s20] =	ssyncset.done $0x0  }
0x1d: {  	[sflag:s20] =	ssyncadd.s32 $0xFFFFE000  }
0x1e: {  	[tilespmem:s21], [sflag:$0x6] =	stream.linear.gather [hbm4b:s4+s1], $0x2000, $0x38;
	[tilespmem:$0xA300] =	vst v63  }
0x1f: {  	_ =	swait.ge [sflag:s20], $0x2000  }
0x20: {  	[sflag:s20] =	ssyncset.done $0x0  }
0x21: {  	[sflag:s20] =	ssyncadd.s32 $0xFFFFE000  }
0x22: {  	[tilespmem:s22], [sflag:$0x6] =	stream.linear.gather [hbm4b:s10+s1], $0x80, $0x38;
	[tilespmem:$0xA300] =	vst v63  }
0x23: {  	_ =	swait.ge [sflag:s20], $0x80  }
0x24: {  	[sflag:s20] =	ssyncset.done $0x0  }
0x25: {  	[sflag:s20] =	ssyncadd.s32 $0xFFFFFF80  }
0x26: {  	[tilespmem:s23], [sflag:$0x6] =	stream.linear.gather [hbm4b:s11+s1], $0x80, $0x38;
	[tilespmem:$0xA300] =	vst v63  }
0x27: {  	_ =	swait.ge [sflag:s20], $0x80  }
0x28: {  	[sflag:s20] =	ssyncset.done $0x0  }
0x29: {  	[sflag:s20] =	ssyncadd.s32 $0xFFFFFF80  }
0x2a: {  	v9 =	vld [tilespmem:$0xA030]  }
0x2b: {  	v30 =	vimm.s32 $0x0;
	v10 =	vld [tilespmem:$0xA080]  }
0x2c: {  	v11 =	vld [tilespmem:$0xA090]  }
0x2d: {  	v12 =	vld [tilespmem:$0xA0A0]  }
0x2e: {  	v13 =	vld [tilespmem:$0xA0B0]  }
0x2f: {  	v3 =	vld [tilespmem:$0xA0C0]  }
0x30: {  	v2 =	vld.idx.msk [tilespmem:v30+s21+$0x0], $0xffff  }
0x31: {  	v1 =	vld [tilespmem:$0xA0D0]  }
0x32: {  	v0 =	vld [tilespmem:$0xA0E0]  }
0x33: {  	v14 =	vld [tilespmem:$0xA0F0]  }
0x34: {  	v4 =	vld.idx.msk [tilespmem:v30+s1+$0x0], $0xffff  }
0x35: {  	v15 =	vld [tilespmem:$0xA060];
	v6 =	vsub.f32 v2, v11  }
0x36: {  	v7 =	vld [tilespmem:$0xA000];
	v5 =	vsub.f32 v2, v12;
	v16 =	vsub.f32 v2, v3  }
0x37: {  	v17 =	vld [tilespmem:$0xA070];
	v19 =	vsub.f32 v2, v1;
	v20 =	vsub.f32 v2, v13  }
0x38: {  	v34 =	vimm.f32 $+Inf;
	v18 =	vld [tilespmem:$0xA050];
	v21 =	vsub.f32 v2, v0;
	v23 =	vsub.f32 v2, v14  }
0x39: {  	v8 =	vld [tilespmem:$0xA010];
	v2 =	vsub.f32 v2, v10;
	v25 =	vsub.f32 v4, v9;
	v22 =	vmul.f32 v5, v5  }
0x3a: {  	v26 =	vsub.f32 v4, v15;
	v19 =	vmul.f32 v19, v19;
	v6 =	vmul.f32 v6, v6  }
0x3b: {  	v5 =	vld [tilespmem:$0xA020];
	v24 =	vmul.f32 v21, v21;
	v21 =	vsub.f32 v4, v7;
	v20 =	vmul.f32 v20, v20  }
0x3c: {  	v27 =	vsub.f32 v4, v17;
	v2 =	vmul.f32 v2, v2;
	v26 =	vmul.f32 v26, v26  }
0x3d: {  	v29 =	vsub.f32 v4, v18;
	v25 =	vmul.f32 v25, v25;
	v28 =	vmul.f32 v21, v21  }
0x3e: {  	v31 =	vsub.f32 v4, v8;
	v23 =	vmul.f32 v23, v23;
	v16 =	vmul.f32 v16, v16  }
0x3f: {  	v21 =	vld [tilespmem:$0xA040];
	v25 =	vadd.f32 v20, v25;
	v20 =	vmul.f32 v27, v27;
	v35 =	vadd.f32 v2, v28  }
0x40: {  	v28 =	vmul.f32 v29, v29;
	v29 =	vmul.f32 v31, v31;
	v2 =	vsub.f32 v4, v5  }
0x41: {  	v31 =	vadd.f32 v24, v26;
	vm2 =	vlt.f32 v25, v34;
	v27 =	vadd.f32 v23, v20  }
0x42: {  	v20 =	vsel vm2, v30, v30;
	v24 =	vmul.f32 v2, v2;
	v2 =	vor.u32 $0x1, v30  }
0x43: {  	v33 =	vsel vm2, v25, v34;
	vm0 =	vlt.f32 v35, v34;
	vm1 =	vlt.f32 v31, v34  }
0x44: {  	v19 =	vadd.f32 v19, v28;
	vm4 =	vlt.f32 v27, v34;
	v4 =	vsub.f32 v4, v21  }
0x45: {  	v32 =	vadd.f32 v6, v29;
	v28 =	vadd.s32 $0x2, v30;
	v25 =	vsel vm1, v30, v30  }
0x46: {  	v36 =	vsel vm0, v30, v30;
	vm3 =	vlt.f32 v19, v34;
	v4 =	vmul.f32 v4, v4  }
0x47: {  	vm6 =	vlt.f32 v32, v34;
	v24 =	vadd.f32 v22, v24;
	v6 =	vsel vm3, v19, v34;
	v38 =	vld.idx.msk [tilespmem:v2+s1+$0x0], $0xffff  }
0x48: {  	v19 =	vsel vm4, v30, v30;
	v39 =	vsel vm6, v32, v34;
	v16 =	vadd.f32 v16, v4;
	v29 =	vld.idx.msk [tilespmem:v2+s21+$0x0], $0xffff  }
0x49: {  	v32 =	vsel vm6, v30, v30;
	vm5 =	vlt.f32 v24, v34;
	v4 =	vsel vm3, v30, v30  }
0x4a: {  	v22 =	vsel vm5, v30, v30;
	v26 =	vsel vm5, v24, v34;
	vm15 =	vlt.f32 v16, v34  }
0x4b: {  	v23 =	vsel vm15, v16, v34;
	v16 =	vsel vm4, v27, v34;
	v24 =	vsel vm15, v30, v30  }
0x4c: {  	v27 =	vsel vm1, v31, v34;
	v30 =	vsub.f32 v38, v7;
	v31 =	vsub.f32 v38, v17  }
0x4d: {  	v37 =	vsel vm0, v35, v34;
	v63 =	vsub.f32 v29, v10;
	v34 =	vsub.f32 v29, v14  }
0x4e: {  	v42 =	vsub.f32 v38, v18;
	v41 =	vmul.f32 v30, v30;
	v30 =	vsub.f32 v29, v11  }
0x4f: {  	v45 =	vsub.f32 v29, v13;
	v47 =	vsub.f32 v38, v15;
	v35 =	vmul.f32 v63, v63  }
0x50: {  	v40 =	vsub.f32 v38, v21;
	v44 =	vsub.f32 v29, v12;
	v43 =	vmul.f32 v30, v30  }
0x51: {  	v30 =	vmul.f32 v42, v42;
	v46 =	vadd.f32 v35, v41;
	v41 =	vmul.f32 v45, v45  }
0x52: {  	s2 =	simm.s32 $0x0;
	v45 =	vsub.f32 v38, v8;
	v42 =	vsub.f32 v38, v9;
	v35 =	vmul.f32 v47, v47  }
.LBB2_2:
0x53: {  	v47 =	vld.idx.msk [tilespmem:v28+s21+$0x0], $0xffff;
	s2 =	sadd.s32 $0x2, s2;
	vm0 =	vlt.f32 v46, v37;
	v44 =	vmul.f32 v44, v44;
	v48 =	vmul.f32 v34, v34  }
0x54: {  	v38 =	vsub.f32 v38, v5;
	p0 =	slt.u32 s2, $0x1FFE;
	v34 =	vsel vm0, v46, v37;
	v36 =	vsel vm0, v2, v36;
	v37 =	vmovc v28  }
0x55: {  	v31 =	vmul.f32 v31, v31;
	v45 =	vmul.f32 v45, v45;
	v46 =	vsub.f32 v29, v0  }
0x56: {  	v49 =	vsub.f32 v29, v3;
	v42 =	vmul.f32 v42, v42;
	v29 =	vsub.f32 v29, v1  }
0x57: {  	v40 =	vmul.f32 v40, v40;
	v38 =	vmul.f32 v38, v38;
	v43 =	vadd.f32 v43, v45  }
0x58: {  	v31 =	vadd.f32 v48, v31;
	v41 =	vadd.f32 v41, v42;
	v42 =	vmul.f32 v46, v46  }
0x59: {  	v45 =	vsub.f32 v47, v11;
	v46 =	vsub.f32 v47, v3;
	vm2 =	vlt.f32 v43, v39  }
0x5a: {  	v50 =	vsub.f32 v47, v12;
	v51 =	vsub.f32 v47, v13;
	v39 =	vsel vm2, v43, v39;
	v48 =	vld.idx.msk [tilespmem:v28+s1+$0x0], $0xffff  }
0x5b: {  	v52 =	vsub.f32 v47, v14;
	vm0 =	vlt.f32 v41, v33;
	v43 =	vsub.f32 v47, v1  }
0x5c: {  	v29 =	vmul.f32 v29, v29;
	v35 =	vadd.f32 v42, v35;
	v50 =	vmul.f32 v50, v50  }
0x5d: {  	v49 =	vmul.f32 v49, v49;
	v42 =	vmul.f32 v43, v43;
	v43 =	vsub.f32 v47, v0  }
0x5e: {  	v33 =	vsel vm0, v41, v33;
	v45 =	vmul.f32 v45, v45;
	vm1 =	vlt.f32 v35, v27  }
0x5f: {  	v40 =	vadd.f32 v49, v40;
	v25 =	vsel vm1, v2, v25;
	v41 =	vmul.f32 v43, v43  }
0x60: {  	v49 =	vmul.f32 v51, v51;
	v27 =	vsel vm1, v35, v27;
	v43 =	vsub.f32 v48, v7  }
0x61: {  	vm1 =	vlt.f32 v31, v16;
	v35 =	vsub.f32 v48, v9;
	v51 =	vsub.f32 v48, v17  }
0x62: {  	v47 =	vsub.f32 v47, v10;
	v19 =	vsel vm1, v2, v19;
	v53 =	vsub.f32 v48, v18  }
0x63: {  	v54 =	vsub.f32 v48, v8;
	v43 =	vmul.f32 v43, v43;
	v35 =	vmul.f32 v35, v35  }
0x64: {  	v16 =	vsel vm1, v31, v16;
	v47 =	vmul.f32 v47, v47;
	v53 =	vmul.f32 v53, v53  }
0x65: {  	vm3 =	vlt.f32 v40, v23;
	v31 =	vmul.f32 v54, v54;
	v54 =	vsub.f32 v48, v15  }
0x66: {  	v29 =	vadd.f32 v29, v30;
	v43 =	vadd.f32 v47, v43;
	v47 =	vmul.f32 v52, v52  }
0x67: {  	v38 =	vadd.f32 v44, v38;
	v30 =	vsub.f32 v48, v5;
	v52 =	vmul.f32 v54, v54  }
0x68: {  	v32 =	vsel vm2, v2, v32;
	vm4 =	vlt.f32 v29, v6;
	vm1 =	vlt.f32 v43, v34  }
0x69: {  	vm5 =	vlt.f32 v38, v26;
	v30 =	vmul.f32 v30, v30;
	v41 =	vadd.f32 v41, v52  }
0x6a: {  	v26 =	vsel vm5, v38, v26;
	v23 =	vsel vm3, v40, v23;
	v35 =	vadd.f32 v49, v35  }
0x6b: {  	v24 =	vsel vm3, v2, v24;
	v38 =	vmul.f32 v51, v51;
	vm2 =	vlt.f32 v41, v27  }
0x6c: {  	v22 =	vsel vm5, v2, v22;
	v30 =	vadd.f32 v50, v30;
	vm3 =	vlt.f32 v35, v33  }
0x6d: {  	v44 =	vor.u32 $0x1, v28;
	v40 =	vadd.f32 v42, v53;
	v42 =	vadd.f32 v47, v38  }
0x6e: {  	v20 =	vsel vm0, v2, v20;
	v6 =	vsel vm4, v29, v6;
	v38 =	vsub.f32 v48, v21  }
0x6f: {  	v4 =	vsel vm4, v2, v4;
	v2 =	vmovc v44;
	vm0 =	vlt.f32 v40, v6;
	vm5 =	vlt.f32 v42, v16  }
0x70: {  	vm4 =	vlt.f32 v30, v26;
	v29 =	vmul.f32 v38, v38;
	v38 =	vmul.f32 v46, v46  }
0x71: {  	v31 =	vadd.f32 v45, v31  }
0x72: {  	v22 =	vsel vm4, v28, v22;
	v4 =	vsel vm0, v28, v4;
	v45 =	vadd.f32 v38, v29;
	v38 =	vld.idx.msk [tilespmem:v44+s1+$0x0], $0xffff  }
0x73: {  	vm6 =	vlt.f32 v31, v39;
	v26 =	vsel vm4, v30, v26;
	v6 =	vsel vm0, v40, v6;
	v29 =	vld.idx.msk [tilespmem:v44+s21+$0x0], $0xffff  }
0x74: {  	v20 =	vsel vm3, v37, v20;
	v28 =	vadd.s32 $0x2, v28;
	vm0 =	vlt.f32 v45, v23  }
0x75: {  	v16 =	vsel vm5, v42, v16;
	v19 =	vsel vm5, v37, v19;
	v23 =	vsel vm0, v45, v23  }
0x76: {  	v33 =	vsel vm3, v35, v33;
	v25 =	vsel vm2, v37, v25;
	v24 =	vsel vm0, v37, v24  }
0x77: {  	v39 =	vsel vm6, v31, v39;
	v32 =	vsel vm6, v37, v32;
	v27 =	vsel vm2, v41, v27  }
0x78: {  	v36 =	vsel vm1, v37, v36;
	v30 =	vsub.f32 v38, v7;
	v31 =	vsub.f32 v38, v17  }
0x79: {  	v37 =	vsel vm1, v43, v34;
	v35 =	vsub.f32 v29, v10;
	v34 =	vsub.f32 v29, v14  }
.Ltmp0:
0x7a: {  	v42 =	vsub.f32 v38, v18;
	v41 =	vmul.f32 v30, v30;
	v30 =	vsub.f32 v29, v11;
	(pc) =	sbr.rel @p0 .LBB2_2-.Ltmp0, $4  }
0x7b: {  	v47 =	vsub.f32 v38, v15;
	v45 =	vsub.f32 v29, v13;
	v35 =	vmul.f32 v35, v35  }
0x7c: {  	v40 =	vsub.f32 v38, v21;
	v43 =	vmul.f32 v30, v30;
	v30 =	vmul.f32 v42, v42  }
0x7d: {  	v44 =	vsub.f32 v29, v12;
	v46 =	vadd.f32 v35, v41;
	v41 =	vmul.f32 v45, v45  }
0x7e: {  	v42 =	vsub.f32 v38, v9;
	v45 =	vsub.f32 v38, v8;
	v35 =	vmul.f32 v47, v47  }
0x7f: {  	_ =	swait.ge [sflag:s24], $0x2000  }
0x80: {  	[sflag:s24] =	ssyncset.done $0x0  }
0x81: {  	[sflag:s24] =	ssyncadd.s32 $0xFFFFE000  }
0x82: {  	_ =	swait.ge [sflag:s25], $0x2000  }
0x83: {  	[sflag:s25] =	ssyncset.done $0x0  }
0x84: {  	[sflag:s25] =	ssyncadd.s32 $0xFFFFE000  }
0x85: {  	_ =	swait.ge [sflag:s26], $0x2000  }
0x86: {  	[sflag:s26] =	ssyncset.done $0x0  }
0x87: {  	[sflag:s26] =	ssyncadd.s32 $0xFFFFE000  }
0x88: {  	vm0 =	vlt.f32 v46, v37;
	_ =	swait.ge [sflag:s28], $0x80  }
0x89: {  	v7 =	vsel vm0, v2, v36;
	[sflag:s28] =	ssyncset.done $0x0  }
0x8a: {  	[sflag:s28] =	ssyncadd.s32 $0xFFFFFF80  }
0x8b: {  	_ =	swait.ge [sflag:s29], $0x80  }
0x8c: {  	[sflag:s29] =	ssyncset.done $0x0  }
0x8d: {  	[sflag:s29] =	ssyncadd.s32 $0xFFFFFF80  }
0x8e: {  	v8 =	vld.idx.msk [tilespmem:v7+s15+$0x0], $0xffff  }
0x8f: {  	v9 =	vld.idx.msk [tilespmem:v7+s16+$0x0], $0xffff  }
0x90: {  	v10 =	vld [tilespmem:$0xA100]  }
0x91: {  	v11 =	vld [tilespmem:$0xA180];
	_ =	sdelay $0x1  }
0x92: {  	v12 =	vmul.f32 v45, v45;
	_ =	sdelay $0x1  }
0x93: {  	v12 =	vadd.f32 v43, v12  }
0x94: {  	v7 =	vld.idx.msk [tilespmem:v7+s17+$0x0], $0xffff;
	v8 =	vsub.f32 v10, v8;
	v9 =	vsub.f32 v11, v9  }
0x95: {  	vm9 =	vlt.f32 v12, v39  }
0x96: {  	v63 =	vsel vm9, v2, v32;
	v8 =	vmul.f32 v8, v8;
	v9 =	vmul.f32 v9, v9;
	_ =	sdelay $0x1  }
0x97: {  	v8 =	vadd.f32 v9, v8  }
0x98: {  	v17 =	vld [tilespmem:$0xA110];
	[tilespmem:$0xA280] =	vst v7  }
0x99: {  	v18 =	vld [tilespmem:$0xA190];
	[tilespmem:$0xA200] =	vst v8  }
0x9a: {  	v7 =	vld.idx.msk [tilespmem:v63+s15+$0x0], $0xffff  }
0x9b: {  	v5 =	vsub.f32 v38, v5;
	v8 =	vld.idx.msk [tilespmem:v63+s16+$0x0], $0xffff;
	_ =	sdelay $0x1  }
0x9c: {  	v21 =	vmul.f32 v44, v44;
	v5 =	vmul.f32 v5, v5;
	_ =	sdelay $0x1  }
0x9d: {  	v5 =	vadd.f32 v21, v5  }
0x9e: {  	v28 =	vld.idx.msk [tilespmem:v63+s17+$0x0], $0xffff;
	v7 =	vsub.f32 v17, v7;
	v8 =	vsub.f32 v18, v8  }
0x9f: {  	vm10 =	vlt.f32 v5, v26  }
0xa0: {  	v32 =	vsel vm10, v2, v22;
	v7 =	vmul.f32 v7, v7;
	v8 =	vmul.f32 v8, v8;
	_ =	sdelay $0x1  }
0xa1: {  	v7 =	vadd.f32 v8, v7  }
0xa2: {  	v36 =	vld [tilespmem:$0xA120];
	[tilespmem:$0xA290] =	vst v28  }
0xa3: {  	v37 =	vld [tilespmem:$0xA1A0];
	[tilespmem:$0xA210] =	vst v7  }
0xa4: {  	v5 =	vld.idx.msk [tilespmem:v32+s15+$0x0], $0xffff  }
0xa5: {  	v7 =	vld.idx.msk [tilespmem:v32+s16+$0x0], $0xffff;
	_ =	sdelay $0x1  }
0xa6: {  	v38 =	vmul.f32 v42, v42;
	_ =	sdelay $0x1  }
0xa7: {  	v11 =	vadd.f32 v41, v38  }
0xa8: {  	v39 =	vld.idx.msk [tilespmem:v32+s17+$0x0], $0xffff;
	v5 =	vsub.f32 v36, v5;
	v7 =	vsub.f32 v37, v7  }
0xa9: {  	vm11 =	vlt.f32 v11, v33  }
0xaa: {  	v41 =	vsel vm11, v2, v20;
	v5 =	vmul.f32 v5, v5;
	v7 =	vmul.f32 v7, v7;
	_ =	sdelay $0x1  }
0xab: {  	v5 =	vadd.f32 v7, v5  }
0xac: {  	v43 =	vld [tilespmem:$0xA130];
	[tilespmem:$0xA2A0] =	vst v39  }
0xad: {  	v44 =	vld [tilespmem:$0xA1B0];
	[tilespmem:$0xA220] =	vst v5  }
0xae: {  	v5 =	vld.idx.msk [tilespmem:v41+s15+$0x0], $0xffff  }
0xaf: {  	v3 =	vsub.f32 v29, v3;
	v42 =	vld.idx.msk [tilespmem:v41+s16+$0x0], $0xffff;
	_ =	sdelay $0x1  }
0xb0: {  	v45 =	vmul.f32 v40, v40;
	v3 =	vmul.f32 v3, v3;
	_ =	sdelay $0x1  }
0xb1: {  	v3 =	vadd.f32 v3, v45  }
0xb2: {  	v46 =	vld.idx.msk [tilespmem:v41+s17+$0x0], $0xffff;
	v5 =	vsub.f32 v43, v5;
	v7 =	vsub.f32 v44, v42  }
0xb3: {  	vm12 =	vlt.f32 v3, v23  }
0xb4: {  	v47 =	vsel vm12, v2, v24;
	v5 =	vmul.f32 v5, v5;
	v7 =	vmul.f32 v7, v7;
	_ =	sdelay $0x1  }
0xb5: {  	v5 =	vadd.f32 v7, v5  }
0xb6: {  	v48 =	vld [tilespmem:$0xA140];
	[tilespmem:$0xA2B0] =	vst v46  }
0xb7: {  	v49 =	vld [tilespmem:$0xA1C0];
	[tilespmem:$0xA230] =	vst v5  }
0xb8: {  	v3 =	vld.idx.msk [tilespmem:v47+s15+$0x0], $0xffff  }
0xb9: {  	v1 =	vsub.f32 v29, v1;
	v5 =	vld.idx.msk [tilespmem:v47+s16+$0x0], $0xffff;
	_ =	sdelay $0x1  }
0xba: {  	v1 =	vmul.f32 v1, v1;
	_ =	sdelay $0x1  }
0xbb: {  	v1 =	vadd.f32 v1, v30  }
0xbc: {  	v50 =	vld.idx.msk [tilespmem:v47+s17+$0x0], $0xffff;
	v3 =	vsub.f32 v48, v3;
	v5 =	vsub.f32 v49, v5  }
0xbd: {  	vm13 =	vlt.f32 v1, v6  }
0xbe: {  	v4 =	vsel vm13, v2, v4;
	v3 =	vmul.f32 v3, v3;
	v5 =	vmul.f32 v5, v5;
	_ =	sdelay $0x1  }
0xbf: {  	v3 =	vadd.f32 v5, v3  }
0xc0: {  	v51 =	vld [tilespmem:$0xA150];
	[tilespmem:$0xA2C0] =	vst v50  }
0xc1: {  	v52 =	vld [tilespmem:$0xA1D0];
	[tilespmem:$0xA240] =	vst v3  }
0xc2: {  	v1 =	vld.idx.msk [tilespmem:v4+s15+$0x0], $0xffff  }
0xc3: {  	v0 =	vsub.f32 v29, v0;
	v3 =	vld.idx.msk [tilespmem:v4+s16+$0x0], $0xffff;
	_ =	sdelay $0x1  }
0xc4: {  	v0 =	vmul.f32 v0, v0;
	_ =	sdelay $0x1  }
0xc5: {  	v0 =	vadd.f32 v0, v35  }
0xc6: {  	v53 =	vld.idx.msk [tilespmem:v4+s17+$0x0], $0xffff;
	v1 =	vsub.f32 v51, v1;
	v3 =	vsub.f32 v52, v3  }
0xc7: {  	vm14 =	vlt.f32 v0, v27  }
0xc8: {  	v54 =	vsel vm14, v2, v25;
	v1 =	vmul.f32 v1, v1;
	v3 =	vmul.f32 v3, v3;
	_ =	sdelay $0x1  }
0xc9: {  	v1 =	vadd.f32 v3, v1  }
0xca: {  	v55 =	vld [tilespmem:$0xA160];
	[tilespmem:$0xA2D0] =	vst v53  }
0xcb: {  	v56 =	vld [tilespmem:$0xA1E0];
	[tilespmem:$0xA250] =	vst v1  }
0xcc: {  	v0 =	vld.idx.msk [tilespmem:v54+s15+$0x0], $0xffff  }
0xcd: {  	v1 =	vld.idx.msk [tilespmem:v54+s16+$0x0], $0xffff;
	_ =	sdelay $0x1  }
0xce: {  	v57 =	vmul.f32 v34, v34;
	v58 =	vmul.f32 v31, v31;
	_ =	sdelay $0x1  }
0xcf: {  	v6 =	vadd.f32 v57, v58  }
0xd0: {  	v59 =	vld.idx.msk [tilespmem:v54+s17+$0x0], $0xffff;
	v0 =	vsub.f32 v55, v0;
	v1 =	vsub.f32 v56, v1  }
0xd1: {  	vm15 =	vlt.f32 v6, v16  }
0xd2: {  	v60 =	vsel vm15, v2, v19;
	v0 =	vmul.f32 v0, v0;
	v1 =	vmul.f32 v1, v1;
	_ =	sdelay $0x1  }
0xd3: {  	v0 =	vadd.f32 v1, v0  }
0xd4: {  	v62 =	vld [tilespmem:$0xA170];
	[tilespmem:$0xA2E0] =	vst v59  }
0xd5: {  	v63 =	vld [tilespmem:$0xA1F0];
	[tilespmem:$0xA260] =	vst v0  }
0xd6: {  	v0 =	vld.idx.msk [tilespmem:v60+s15+$0x0], $0xffff  }
0xd7: {  	v61 =	vld.idx.msk [tilespmem:v60+s16+$0x0], $0xffff;
	_ =	sdelay $0x4  }
0xd8: {  	v2 =	vld.idx.msk [tilespmem:v60+s17+$0x0], $0xffff;
	v0 =	vsub.f32 v62, v0;
	v1 =	vsub.f32 v63, v61;
	_ =	sdelay $0x1  }
0xd9: {  	v0 =	vmul.f32 v0, v0;
	v1 =	vmul.f32 v1, v1;
	_ =	sdelay $0x1  }
0xda: {  	v0 =	vadd.f32 v1, v0  }
0xdb: {  	[tilespmem:$0xA2F0] =	vst v2  }
0xdc: {  	[tilespmem:$0xA270] =	vst v0  }
0xdd: {  	[hbm4b:s12+s1] =	stream.linear.scatter [tilespmem:s30], [sflag:$0x6], $0x80, $0x38;
	[tilespmem:$0xA300] =	vst v63  }
0xde: {  	s0 =	sadd.s32 $0x1, s0;
	_ =	swait.ge [sflag:s20], $0x80  }
0xdf: {  	p0 =	sne.s32 s0, s14;
	[sflag:s20] =	ssyncset.done $0x0  }
.Ltmp1:
0xe0: {  	[sflag:s20] =	ssyncadd.s32 $0xFFFFFF80;
	(pc) =	sbr.rel @p0 .LBB2_1-.Ltmp1, $4  }
0xe1: {  	[hbm4b:s13+s1] =	stream.linear.scatter [tilespmem:s31], [sflag:$0x6], $0x80, $0x38;
	[tilespmem:$0xA300] =	vst v63  }
0xe2: {  	_ =	swait.ge [sflag:s20], $0x80  }
0xe3: {  	[sflag:s20] =	ssyncset.done $0x0  }
0xe4: {  	[sflag:s20] =	ssyncadd.s32 $0xFFFFFF80  }
0xe5: {  	_ =	sfence.sel $0x180000  }
0xe6: {  	[bflag:$0x0] =	sbarrier.arrive $0xFFFF  }
0xe7: {  	_ =	strace $0x90000047  }
0xe8: {  	s0 =	stileid.u32;
	[bflag:$0x2] =	sbarrier.arrive $0xFFFF  }
0xe9: {  	p0 =	sne.s32 s0, $0x0;
	s0 =	rddreg [dreg:$0x1]  }
0xea: {  	s0 =	sadd.s32 @!p0 $0x100000, s0  }
0xeb: {  	[sflag:s0] =	ssyncadd.tile.s32 @!p0 $0x1;
	_ =	shalt  }
.Lfunc_end2:
_tile_overlayer_lowered:
.L_overlay_start_2:
0xec: {  	(tag) =	ssettag $0x2  }
0xed: {  	s0 =	rddreg [dreg:$0x0];
	s2 =	stileid.u32  }
0xee: {  	s1 =	rddreg [dreg:$0x1];
	p0 =	sne.s32 s2, $0x0  }
0xef: {  	s3 =	rddreg [dreg:$0x2];
	[bflag:$0x3] =	sbarrier.arrive $0xFFFF;
	s2 =	simm.s32 @!p0 $0x1C06  }
0xf0: {  	[timem:s3], [sflag:s2] =	dma.local @!p0 [hbm:s0], s1  }
0xf1: {  	s0 =	simm.s32 @!p0 $0x6  }
0xf2: {  	_ =	swait.ge @!p0 [sflag:s0], s1  }
0xf3: {  	s1 =	ssub.s32 @!p0 $0x0, s1;
	[sflag:s0] =	ssyncset.done @!p0 $0x0  }
0xf4: {  	[sflag:s0] =	ssyncadd.s32 @!p0 s1  }
0xf5: {  	[bflag:$0x3] =	sbarrier.arrive $0xFFFF  }
0xf6: {  	_ =	shalt  }

</sc_bundles>
